<compile_context>
chip_gen: v7x
topology: tpu7x:2x2x1
jax: 0.10.2.dev20260603
libtpu: 0.0.44.dev20260713+nightly
codegen_flags: <defaults>
</compile_context>

<pallas_src>
import functools

import jax
import jax.numpy as jnp
from jax import lax
from jax.experimental import pallas as pl
from jax.experimental.pallas import tpu as pltpu
from jax.experimental.pallas import tpu_sc as plsc

N_NODES = 10000
N_EDGES = 160000
LANES = 16
N_SUB = 16
N_CORES = 2
EPT = N_EDGES // N_SUB
N_ACC = 10240
ZPT = N_ACC // N_SUB
UNROLL = 5

_mesh = plsc.VectorSubcoreMesh(core_axis_name="c", subcore_axis_name="s")


@functools.partial(
    pl.kernel,
    mesh=_mesh,
    out_type=(
        jax.ShapeDtypeStruct((N_ACC,), jnp.float32),
        jax.ShapeDtypeStruct((N_ACC,), jnp.float32),
    ),
    scratch_types=[
        pltpu.VMEM((EPT,), jnp.float32),
        pltpu.VMEM((EPT,), jnp.int32),
        pltpu.VMEM((EPT,), jnp.float32),
        pltpu.VMEM((ZPT,), jnp.float32),
        pltpu.VMEM_SHARED((N_ACC,), jnp.float32),
        pltpu.SemaphoreType.DMA,
        pltpu.SemaphoreType.DMA,
        pltpu.SemaphoreType.DMA,
        pltpu.SemaphoreType.DMA,
        pltpu.SemaphoreType.DMA,
        pltpu.SemaphoreType.DMA,
    ],
)
def _pool_kernel(x_hbm, idx_hbm, den_hbm, num_hbm, x_v, idx_v, v_v, z_v,
                 acc, sem_x, sem_i, sem_s0, sem_s1, sem_s2, sem_s3):
    c = lax.axis_index("c")
    s = lax.axis_index("s")
    ebase = s * EPT

    cp_x = pltpu.async_copy(x_hbm.at[pl.ds(ebase, EPT)], x_v, sem_x)
    cp_i = pltpu.async_copy(idx_hbm.at[pl.ds(ebase, EPT)], idx_v, sem_i)

    zero = jnp.zeros((LANES,), jnp.float32)
    for i in range(ZPT // LANES):
        z_v[pl.ds(i * LANES, LANES)] = zero
    pltpu.sync_copy(z_v, acc.at[pl.ds(s * ZPT, ZPT)])

    cp_x.wait()

    is_num = c == 1

    def compute(j, carry):
        for k in range(UNROLL):
            sl = pl.ds((j * UNROLL + k) * LANES, LANES)
            xv = x_v[sl]
            ev = jnp.exp(xv)
            v_v[sl] = jnp.where(is_num, ev * xv, ev)
        return carry

    lax.fori_loop(0, EPT // (UNROLL * LANES), compute, 0)

    plsc.subcore_barrier()
    cp_i.wait()

    SEG = 2496
    LAST = EPT - 3 * SEG
    cp0 = pltpu.async_copy(v_v.at[pl.ds(0 * SEG, SEG)],
                           acc.at[idx_v.at[pl.ds(0 * SEG, SEG)]],
                           sem_s0, add=True)
    cp1 = pltpu.async_copy(v_v.at[pl.ds(1 * SEG, SEG)],
                           acc.at[idx_v.at[pl.ds(1 * SEG, SEG)]],
                           sem_s1, add=True)
    cp2 = pltpu.async_copy(v_v.at[pl.ds(2 * SEG, SEG)],
                           acc.at[idx_v.at[pl.ds(2 * SEG, SEG)]],
                           sem_s2, add=True)
    cp3 = pltpu.async_copy(v_v.at[pl.ds(3 * SEG, LAST)],
                           acc.at[idx_v.at[pl.ds(3 * SEG, LAST)]],
                           sem_s3, add=True)
    cp0.wait()
    cp1.wait()
    cp2.wait()
    cp3.wait()

    plsc.subcore_barrier()

    nbase = s * ZPT
    pltpu.sync_copy(acc.at[pl.ds(nbase, ZPT)], z_v)

    @pl.when(c == 0)
    def _():
        pltpu.sync_copy(z_v, den_hbm.at[pl.ds(nbase, ZPT)])

    @pl.when(c == 1)
    def _():
        pltpu.sync_copy(z_v, num_hbm.at[pl.ds(nbase, ZPT)])


def kernel(x, index):
    den, num = _pool_kernel(x, index)
    return (num[:N_NODES] / (den[:N_NODES] + 1e-10))

# --- scband reference (transcript-rebuilt; emitter-appended) ---
"""Pipeline reference for scband-attention-pooling-33371895890590 (READ-ONLY COPY).

The authoritative reference and input builder live on the scoring server;
editing this copy changes nothing except your own understanding.
"""

import jax, jax.numpy as jnp
import numpy as np

N_NODES = 10000
N_EDGES = 160000

def setup_inputs(seed: int = 0) -> dict:
    key = jax.random.key(seed)
    k1, k2 = jax.random.split(key)
    x = jax.random.normal(k1, (N_EDGES,), dtype=jnp.float32)
    index = jnp.sort(jax.random.randint(k2, (N_EDGES,), 0, N_NODES, dtype=jnp.int32))
    return {"x": x, "index": index}

def reference(x, index):
    # gate_nn and message_nn are nn.Identity()
    gate = x
    seg_max = jax.ops.segment_max(gate, index, num_segments=N_NODES)
    gate = gate - seg_max[index]
    gate = jnp.exp(gate)
    seg_sum = jax.ops.segment_sum(gate, index, num_segments=N_NODES)
    gate = gate / (seg_sum[index] + 1e-10)
    msg = x
    out = jax.ops.segment_sum(gate * msg, index, num_segments=N_NODES)
    return out

if __name__ == "__main__":
    import jax
    _d = setup_inputs()
    print(jax.jit(kernel)(*tuple(_d.values())))

</pallas_src>

<mosaic_0001>
#map = affine_map<(d0, d1) -> (0)>
module attributes {stable_mosaic.version = 14 : i64} {
  func.func @_pool_kernel(%arg0: i32, %arg1: i32, %arg2: memref<160000xf32, #tpu.memory_space<hbm>>, %arg3: memref<160000xi32, #tpu.memory_space<hbm>>, %arg4: memref<10240xf32, #tpu.memory_space<hbm>>, %arg5: memref<10240xf32, #tpu.memory_space<hbm>>, %arg6: memref<10000xf32, #tpu.memory_space<vmem>>, %arg7: memref<10000xi32, #tpu.memory_space<vmem>>, %arg8: memref<10000xf32, #tpu.memory_space<vmem>>, %arg9: memref<640xf32, #tpu.memory_space<vmem>>, %arg10: memref<10240xf32, #tpu.memory_space<vmem_shared>>, %arg11: memref<!tpu.dma_semaphore, #tpu.memory_space<semaphore_mem>>, %arg12: memref<!tpu.dma_semaphore, #tpu.memory_space<semaphore_mem>>, %arg13: memref<!tpu.dma_semaphore, #tpu.memory_space<semaphore_mem>>, %arg14: memref<!tpu.dma_semaphore, #tpu.memory_space<semaphore_mem>>, %arg15: memref<!tpu.dma_semaphore, #tpu.memory_space<semaphore_mem>>, %arg16: memref<!tpu.dma_semaphore, #tpu.memory_space<semaphore_mem>>) attributes {dimension_semantics = [#tpu.dimension_semantics<core_parallel>, #tpu.dimension_semantics<subcore_parallel>], iteration_bounds = array<i64: 2, 16>, scalar_prefetch = 0 : i64, scratch_operands = 11 : i64, tpu.core_type = #tpu.core_type<sc_vector_subcore>, window_params = [{transform_indices = #map}, {transform_indices = #map}, {transform_indices = #map}, {transform_indices = #map}]} {
    %mul3A = arith.constant 10000 : i32
    %mul3A_0 = arith.muli %arg1, %mul3A : i32
    %dma_start3A = tpu.memref_slice %arg2[%mul3A_0] : memref<160000xf32, #tpu.memory_space<hbm>> -> memref<10000xf32, #tpu.memory_space<hbm>>
    %dma_start3A_1 = tpu.memref_slice %arg2[%mul3A_0] : memref<160000xf32, #tpu.memory_space<hbm>> -> memref<10000xf32, #tpu.memory_space<hbm>>
    tpu.enqueue_dma source(%dma_start3A_1 : memref<10000xf32, #tpu.memory_space<hbm>>) target(%arg6 : memref<10000xf32, #tpu.memory_space<vmem>>) target_semaphore(%arg11 : memref<!tpu.dma_semaphore, #tpu.memory_space<semaphore_mem>>)
    %dma_start3A_2 = tpu.memref_slice %arg3[%mul3A_0] : memref<160000xi32, #tpu.memory_space<hbm>> -> memref<10000xi32, #tpu.memory_space<hbm>>
    %dma_start3A_3 = tpu.memref_slice %arg3[%mul3A_0] : memref<160000xi32, #tpu.memory_space<hbm>> -> memref<10000xi32, #tpu.memory_space<hbm>>
    tpu.enqueue_dma source(%dma_start3A_3 : memref<10000xi32, #tpu.memory_space<hbm>>) target(%arg7 : memref<10000xi32, #tpu.memory_space<vmem>>) target_semaphore(%arg12 : memref<!tpu.dma_semaphore, #tpu.memory_space<semaphore_mem>>)
    %broadcast_in_dim3A = arith.constant 0.000000e+00 : f32
    %broadcast_in_dim3A_4 = vector.broadcast %broadcast_in_dim3A : f32 to vector<16xf32>
    %swap3A = arith.constant 0 : index
    %swap3A_5 = tpu.vector_load %arg9[%swap3A] {strides = array<i32>} : memref<640xf32, #tpu.memory_space<vmem>>, vector<16xf32>,
    %swap3A_6 = vector.shape_cast %swap3A_5 : vector<16xf32> to vector<16xf32>
    %swap3A_7 = vector.shape_cast %broadcast_in_dim3A_4 : vector<16xf32> to vector<16xf32>
    tpu.vector_store %arg9[%swap3A], %swap3A_7 {strides = array<i32>} : memref<640xf32, #tpu.memory_space<vmem>>, vector<16xf32>,
    %swap3A_8 = arith.constant 16 : index
    %swap3A_9 = tpu.vector_load %arg9[%swap3A_8] {strides = array<i32>} : memref<640xf32, #tpu.memory_space<vmem>>, vector<16xf32>,
    %swap3A_10 = vector.shape_cast %swap3A_9 : vector<16xf32> to vector<16xf32>
    %swap3A_11 = vector.shape_cast %broadcast_in_dim3A_4 : vector<16xf32> to vector<16xf32>
    tpu.vector_store %arg9[%swap3A_8], %swap3A_11 {strides = array<i32>} : memref<640xf32, #tpu.memory_space<vmem>>, vector<16xf32>,
    %swap3A_12 = arith.constant 32 : index
    %swap3A_13 = tpu.vector_load %arg9[%swap3A_12] {strides = array<i32>} : memref<640xf32, #tpu.memory_space<vmem>>, vector<16xf32>,
    %swap3A_14 = vector.shape_cast %swap3A_13 : vector<16xf32> to vector<16xf32>
    %swap3A_15 = vector.shape_cast %broadcast_in_dim3A_4 : vector<16xf32> to vector<16xf32>
    tpu.vector_store %arg9[%swap3A_12], %swap3A_15 {strides = array<i32>} : memref<640xf32, #tpu.memory_space<vmem>>, vector<16xf32>,
    %swap3A_16 = arith.constant 48 : index
    %swap3A_17 = tpu.vector_load %arg9[%swap3A_16] {strides = array<i32>} : memref<640xf32, #tpu.memory_space<vmem>>, vector<16xf32>,
    %swap3A_18 = vector.shape_cast %swap3A_17 : vector<16xf32> to vector<16xf32>
    %swap3A_19 = vector.shape_cast %broadcast_in_dim3A_4 : vector<16xf32> to vector<16xf32>
    tpu.vector_store %arg9[%swap3A_16], %swap3A_19 {strides = array<i32>} : memref<640xf32, #tpu.memory_space<vmem>>, vector<16xf32>,
    %swap3A_20 = arith.constant 64 : index
    %swap3A_21 = tpu.vector_load %arg9[%swap3A_20] {strides = array<i32>} : memref<640xf32, #tpu.memory_space<vmem>>, vector<16xf32>,
    %swap3A_22 = vector.shape_cast %swap3A_21 : vector<16xf32> to vector<16xf32>
    %swap3A_23 = vector.shape_cast %broadcast_in_dim3A_4 : vector<16xf32> to vector<16xf32>
    tpu.vector_store %arg9[%swap3A_20], %swap3A_23 {strides = array<i32>} : memref<640xf32, #tpu.memory_space<vmem>>, vector<16xf32>,
    %swap3A_24 = arith.constant 80 : index
    %swap3A_25 = tpu.vector_load %arg9[%swap3A_24] {strides = array<i32>} : memref<640xf32, #tpu.memory_space<vmem>>, vector<16xf32>,
    %swap3A_26 = vector.shape_cast %swap3A_25 : vector<16xf32> to vector<16xf32>
    %swap3A_27 = vector.shape_cast %broadcast_in_dim3A_4 : vector<16xf32> to vector<16xf32>
    tpu.vector_store %arg9[%swap3A_24], %swap3A_27 {strides = array<i32>} : memref<640xf32, #tpu.memory_space<vmem>>, vector<16xf32>,
    %swap3A_28 = arith.constant 96 : index
    %swap3A_29 = tpu.vector_load %arg9[%swap3A_28] {strides = array<i32>} : memref<640xf32, #tpu.memory_space<vmem>>, vector<16xf32>,
    %swap3A_30 = vector.shape_cast %swap3A_29 : vector<16xf32> to vector<16xf32>
    %swap3A_31 = vector.shape_cast %broadcast_in_dim3A_4 : vector<16xf32> to vector<16xf32>
    tpu.vector_store %arg9[%swap3A_28], %swap3A_31 {strides = array<i32>} : memref<640xf32, #tpu.memory_space<vmem>>, vector<16xf32>,
    %swap3A_32 = arith.constant 112 : index
    %swap3A_33 = tpu.vector_load %arg9[%swap3A_32] {strides = array<i32>} : memref<640xf32, #tpu.memory_space<vmem>>, vector<16xf32>,
    %swap3A_34 = vector.shape_cast %swap3A_33 : vector<16xf32> to vector<16xf32>
    %swap3A_35 = vector.shape_cast %broadcast_in_dim3A_4 : vector<16xf32> to vector<16xf32>
    tpu.vector_store %arg9[%swap3A_32], %swap3A_35 {strides = array<i32>} : memref<640xf32, #tpu.memory_space<vmem>>, vector<16xf32>,
    %swap3A_36 = arith.constant 128 : index
    %swap3A_37 = tpu.vector_load %arg9[%swap3A_36] {strides = array<i32>} : memref<640xf32, #tpu.memory_space<vmem>>, vector<16xf32>,
    %swap3A_38 = vector.shape_cast %swap3A_37 : vector<16xf32> to vector<16xf32>
    %swap3A_39 = vector.shape_cast %broadcast_in_dim3A_4 : vector<16xf32> to vector<16xf32>
    tpu.vector_store %arg9[%swap3A_36], %swap3A_39 {strides = array<i32>} : memref<640xf32, #tpu.memory_space<vmem>>, vector<16xf32>,
    %swap3A_40 = arith.constant 144 : index
    %swap3A_41 = tpu.vector_load %arg9[%swap3A_40] {strides = array<i32>} : memref<640xf32, #tpu.memory_space<vmem>>, vector<16xf32>,
    %swap3A_42 = vector.shape_cast %swap3A_41 : vector<16xf32> to vector<16xf32>
    %swap3A_43 = vector.shape_cast %broadcast_in_dim3A_4 : vector<16xf32> to vector<16xf32>
    tpu.vector_store %arg9[%swap3A_40], %swap3A_43 {strides = array<i32>} : memref<640xf32, #tpu.memory_space<vmem>>, vector<16xf32>,
    %swap3A_44 = arith.constant 160 : index
    %swap3A_45 = tpu.vector_load %arg9[%swap3A_44] {strides = array<i32>} : memref<640xf32, #tpu.memory_space<vmem>>, vector<16xf32>,
    %swap3A_46 = vector.shape_cast %swap3A_45 : vector<16xf32> to vector<16xf32>
    %swap3A_47 = vector.shape_cast %broadcast_in_dim3A_4 : vector<16xf32> to vector<16xf32>
    tpu.vector_store %arg9[%swap3A_44], %swap3A_47 {strides = array<i32>} : memref<640xf32, #tpu.memory_space<vmem>>, vector<16xf32>,
    %swap3A_48 = arith.constant 176 : index
    %swap3A_49 = tpu.vector_load %arg9[%swap3A_48] {strides = array<i32>} : memref<640xf32, #tpu.memory_space<vmem>>, vector<16xf32>,
    %swap3A_50 = vector.shape_cast %swap3A_49 : vector<16xf32> to vector<16xf32>
    %swap3A_51 = vector.shape_cast %broadcast_in_dim3A_4 : vector<16xf32> to vector<16xf32>
    tpu.vector_store %arg9[%swap3A_48], %swap3A_51 {strides = array<i32>} : memref<640xf32, #tpu.memory_space<vmem>>, vector<16xf32>,
    %swap3A_52 = arith.constant 192 : index
    %swap3A_53 = tpu.vector_load %arg9[%swap3A_52] {strides = array<i32>} : memref<640xf32, #tpu.memory_space<vmem>>, vector<16xf32>,
    %swap3A_54 = vector.shape_cast %swap3A_53 : vector<16xf32> to vector<16xf32>
    %swap3A_55 = vector.shape_cast %broadcast_in_dim3A_4 : vector<16xf32> to vector<16xf32>
    tpu.vector_store %arg9[%swap3A_52], %swap3A_55 {strides = array<i32>} : memref<640xf32, #tpu.memory_space<vmem>>, vector<16xf32>,
    %swap3A_56 = arith.constant 208 : index
    %swap3A_57 = tpu.vector_load %arg9[%swap3A_56] {strides = array<i32>} : memref<640xf32, #tpu.memory_space<vmem>>, vector<16xf32>,
    %swap3A_58 = vector.shape_cast %swap3A_57 : vector<16xf32> to vector<16xf32>
    %swap3A_59 = vector.shape_cast %broadcast_in_dim3A_4 : vector<16xf32> to vector<16xf32>
    tpu.vector_store %arg9[%swap3A_56], %swap3A_59 {strides = array<i32>} : memref<640xf32, #tpu.memory_space<vmem>>, vector<16xf32>,
    %swap3A_60 = arith.constant 224 : index
    %swap3A_61 = tpu.vector_load %arg9[%swap3A_60] {strides = array<i32>} : memref<640xf32, #tpu.memory_space<vmem>>, vector<16xf32>,
    %swap3A_62 = vector.shape_cast %swap3A_61 : vector<16xf32> to vector<16xf32>
    %swap3A_63 = vector.shape_cast %broadcast_in_dim3A_4 : vector<16xf32> to vector<16xf32>
    tpu.vector_store %arg9[%swap3A_60], %swap3A_63 {strides = array<i32>} : memref<640xf32, #tpu.memory_space<vmem>>, vector<16xf32>,
    %swap3A_64 = arith.constant 240 : index
    %swap3A_65 = tpu.vector_load %arg9[%swap3A_64] {strides = array<i32>} : memref<640xf32, #tpu.memory_space<vmem>>, vector<16xf32>,
    %swap3A_66 = vector.shape_cast %swap3A_65 : vector<16xf32> to vector<16xf32>
    %swap3A_67 = vector.shape_cast %broadcast_in_dim3A_4 : vector<16xf32> to vector<16xf32>
    tpu.vector_store %arg9[%swap3A_64], %swap3A_67 {strides = array<i32>} : memref<640xf32, #tpu.memory_space<vmem>>, vector<16xf32>,
    %swap3A_68 = arith.constant 256 : index
    %swap3A_69 = tpu.vector_load %arg9[%swap3A_68] {strides = array<i32>} : memref<640xf32, #tpu.memory_space<vmem>>, vector<16xf32>,
    %swap3A_70 = vector.shape_cast %swap3A_69 : vector<16xf32> to vector<16xf32>
    %swap3A_71 = vector.shape_cast %broadcast_in_dim3A_4 : vector<16xf32> to vector<16xf32>
    tpu.vector_store %arg9[%swap3A_68], %swap3A_71 {strides = array<i32>} : memref<640xf32, #tpu.memory_space<vmem>>, vector<16xf32>,
    %swap3A_72 = arith.constant 272 : index
    %swap3A_73 = tpu.vector_load %arg9[%swap3A_72] {strides = array<i32>} : memref<640xf32, #tpu.memory_space<vmem>>, vector<16xf32>,
    %swap3A_74 = vector.shape_cast %swap3A_73 : vector<16xf32> to vector<16xf32>
    %swap3A_75 = vector.shape_cast %broadcast_in_dim3A_4 : vector<16xf32> to vector<16xf32>
    tpu.vector_store %arg9[%swap3A_72], %swap3A_75 {strides = array<i32>} : memref<640xf32, #tpu.memory_space<vmem>>, vector<16xf32>,
    %swap3A_76 = arith.constant 288 : index
    %swap3A_77 = tpu.vector_load %arg9[%swap3A_76] {strides = array<i32>} : memref<640xf32, #tpu.memory_space<vmem>>, vector<16xf32>,
    %swap3A_78 = vector.shape_cast %swap3A_77 : vector<16xf32> to vector<16xf32>
    %swap3A_79 = vector.shape_cast %broadcast_in_dim3A_4 : vector<16xf32> to vector<16xf32>
    tpu.vector_store %arg9[%swap3A_76], %swap3A_79 {strides = array<i32>} : memref<640xf32, #tpu.memory_space<vmem>>, vector<16xf32>,
    %swap3A_80 = arith.constant 304 : index
    %swap3A_81 = tpu.vector_load %arg9[%swap3A_80] {strides = array<i32>} : memref<640xf32, #tpu.memory_space<vmem>>, vector<16xf32>,
    %swap3A_82 = vector.shape_cast %swap3A_81 : vector<16xf32> to vector<16xf32>
    %swap3A_83 = vector.shape_cast %broadcast_in_dim3A_4 : vector<16xf32> to vector<16xf32>
    tpu.vector_store %arg9[%swap3A_80], %swap3A_83 {strides = array<i32>} : memref<640xf32, #tpu.memory_space<vmem>>, vector<16xf32>,
    %swap3A_84 = arith.constant 320 : index
    %swap3A_85 = tpu.vector_load %arg9[%swap3A_84] {strides = array<i32>} : memref<640xf32, #tpu.memory_space<vmem>>, vector<16xf32>,
    %swap3A_86 = vector.shape_cast %swap3A_85 : vector<16xf32> to vector<16xf32>
    %swap3A_87 = vector.shape_cast %broadcast_in_dim3A_4 : vector<16xf32> to vector<16xf32>
    tpu.vector_store %arg9[%swap3A_84], %swap3A_87 {strides = array<i32>} : memref<640xf32, #tpu.memory_space<vmem>>, vector<16xf32>,
    %swap3A_88 = arith.constant 336 : index
    %swap3A_89 = tpu.vector_load %arg9[%swap3A_88] {strides = array<i32>} : memref<640xf32, #tpu.memory_space<vmem>>, vector<16xf32>,
    %swap3A_90 = vector.shape_cast %swap3A_89 : vector<16xf32> to vector<16xf32>
    %swap3A_91 = vector.shape_cast %broadcast_in_dim3A_4 : vector<16xf32> to vector<16xf32>
    tpu.vector_store %arg9[%swap3A_88], %swap3A_91 {strides = array<i32>} : memref<640xf32, #tpu.memory_space<vmem>>, vector<16xf32>,
    %swap3A_92 = arith.constant 352 : index
    %swap3A_93 = tpu.vector_load %arg9[%swap3A_92] {strides = array<i32>} : memref<640xf32, #tpu.memory_space<vmem>>, vector<16xf32>,
    %swap3A_94 = vector.shape_cast %swap3A_93 : vector<16xf32> to vector<16xf32>
    %swap3A_95 = vector.shape_cast %broadcast_in_dim3A_4 : vector<16xf32> to vector<16xf32>
    tpu.vector_store %arg9[%swap3A_92], %swap3A_95 {strides = array<i32>} : memref<640xf32, #tpu.memory_space<vmem>>, vector<16xf32>,
    %swap3A_96 = arith.constant 368 : index
    %swap3A_97 = tpu.vector_load %arg9[%swap3A_96] {strides = array<i32>} : memref<640xf32, #tpu.memory_space<vmem>>, vector<16xf32>,
    %swap3A_98 = vector.shape_cast %swap3A_97 : vector<16xf32> to vector<16xf32>
    %swap3A_99 = vector.shape_cast %broadcast_in_dim3A_4 : vector<16xf32> to vector<16xf32>
    tpu.vector_store %arg9[%swap3A_96], %swap3A_99 {strides = array<i32>} : memref<640xf32, #tpu.memory_space<vmem>>, vector<16xf32>,
    %swap3A_100 = arith.constant 384 : index
    %swap3A_101 = tpu.vector_load %arg9[%swap3A_100] {strides = array<i32>} : memref<640xf32, #tpu.memory_space<vmem>>, vector<16xf32>,
    %swap3A_102 = vector.shape_cast %swap3A_101 : vector<16xf32> to vector<16xf32>
    %swap3A_103 = vector.shape_cast %broadcast_in_dim3A_4 : vector<16xf32> to vector<16xf32>
    tpu.vector_store %arg9[%swap3A_100], %swap3A_103 {strides = array<i32>} : memref<640xf32, #tpu.memory_space<vmem>>, vector<16xf32>,
    %swap3A_104 = arith.constant 400 : index
    %swap3A_105 = tpu.vector_load %arg9[%swap3A_104] {strides = array<i32>} : memref<640xf32, #tpu.memory_space<vmem>>, vector<16xf32>,
    %swap3A_106 = vector.shape_cast %swap3A_105 : vector<16xf32> to vector<16xf32>
    %swap3A_107 = vector.shape_cast %broadcast_in_dim3A_4 : vector<16xf32> to vector<16xf32>
    tpu.vector_store %arg9[%swap3A_104], %swap3A_107 {strides = array<i32>} : memref<640xf32, #tpu.memory_space<vmem>>, vector<16xf32>,
    %swap3A_108 = arith.constant 416 : index
    %swap3A_109 = tpu.vector_load %arg9[%swap3A_108] {strides = array<i32>} : memref<640xf32, #tpu.memory_space<vmem>>, vector<16xf32>,
    %swap3A_110 = vector.shape_cast %swap3A_109 : vector<16xf32> to vector<16xf32>
    %swap3A_111 = vector.shape_cast %broadcast_in_dim3A_4 : vector<16xf32> to vector<16xf32>
    tpu.vector_store %arg9[%swap3A_108], %swap3A_111 {strides = array<i32>} : memref<640xf32, #tpu.memory_space<vmem>>, vector<16xf32>,
    %swap3A_112 = arith.constant 432 : index
    %swap3A_113 = tpu.vector_load %arg9[%swap3A_112] {strides = array<i32>} : memref<640xf32, #tpu.memory_space<vmem>>, vector<16xf32>,
    %swap3A_114 = vector.shape_cast %swap3A_113 : vector<16xf32> to vector<16xf32>
    %swap3A_115 = vector.shape_cast %broadcast_in_dim3A_4 : vector<16xf32> to vector<16xf32>
    tpu.vector_store %arg9[%swap3A_112], %swap3A_115 {strides = array<i32>} : memref<640xf32, #tpu.memory_space<vmem>>, vector<16xf32>,
    %swap3A_116 = arith.constant 448 : index
    %swap3A_117 = tpu.vector_load %arg9[%swap3A_116] {strides = array<i32>} : memref<640xf32, #tpu.memory_space<vmem>>, vector<16xf32>,
    %swap3A_118 = vector.shape_cast %swap3A_117 : vector<16xf32> to vector<16xf32>
    %swap3A_119 = vector.shape_cast %broadcast_in_dim3A_4 : vector<16xf32> to vector<16xf32>
    tpu.vector_store %arg9[%swap3A_116], %swap3A_119 {strides = array<i32>} : memref<640xf32, #tpu.memory_space<vmem>>, vector<16xf32>,
    %swap3A_120 = arith.constant 464 : index
    %swap3A_121 = tpu.vector_load %arg9[%swap3A_120] {strides = array<i32>} : memref<640xf32, #tpu.memory_space<vmem>>, vector<16xf32>,
    %swap3A_122 = vector.shape_cast %swap3A_121 : vector<16xf32> to vector<16xf32>
    %swap3A_123 = vector.shape_cast %broadcast_in_dim3A_4 : vector<16xf32> to vector<16xf32>
    tpu.vector_store %arg9[%swap3A_120], %swap3A_123 {strides = array<i32>} : memref<640xf32, #tpu.memory_space<vmem>>, vector<16xf32>,
    %swap3A_124 = arith.constant 480 : index
    %swap3A_125 = tpu.vector_load %arg9[%swap3A_124] {strides = array<i32>} : memref<640xf32, #tpu.memory_space<vmem>>, vector<16xf32>,
    %swap3A_126 = vector.shape_cast %swap3A_125 : vector<16xf32> to vector<16xf32>
    %swap3A_127 = vector.shape_cast %broadcast_in_dim3A_4 : vector<16xf32> to vector<16xf32>
    tpu.vector_store %arg9[%swap3A_124], %swap3A_127 {strides = array<i32>} : memref<640xf32, #tpu.memory_space<vmem>>, vector<16xf32>,
    %swap3A_128 = arith.constant 496 : index
    %swap3A_129 = tpu.vector_load %arg9[%swap3A_128] {strides = array<i32>} : memref<640xf32, #tpu.memory_space<vmem>>, vector<16xf32>,
    %swap3A_130 = vector.shape_cast %swap3A_129 : vector<16xf32> to vector<16xf32>
    %swap3A_131 = vector.shape_cast %broadcast_in_dim3A_4 : vector<16xf32> to vector<16xf32>
    tpu.vector_store %arg9[%swap3A_128], %swap3A_131 {strides = array<i32>} : memref<640xf32, #tpu.memory_space<vmem>>, vector<16xf32>,
    %swap3A_132 = arith.constant 512 : index
    %swap3A_133 = tpu.vector_load %arg9[%swap3A_132] {strides = array<i32>} : memref<640xf32, #tpu.memory_space<vmem>>, vector<16xf32>,
    %swap3A_134 = vector.shape_cast %swap3A_133 : vector<16xf32> to vector<16xf32>
    %swap3A_135 = vector.shape_cast %broadcast_in_dim3A_4 : vector<16xf32> to vector<16xf32>
    tpu.vector_store %arg9[%swap3A_132], %swap3A_135 {strides = array<i32>} : memref<640xf32, #tpu.memory_space<vmem>>, vector<16xf32>,
    %swap3A_136 = arith.constant 528 : index
    %swap3A_137 = tpu.vector_load %arg9[%swap3A_136] {strides = array<i32>} : memref<640xf32, #tpu.memory_space<vmem>>, vector<16xf32>,
    %swap3A_138 = vector.shape_cast %swap3A_137 : vector<16xf32> to vector<16xf32>
    %swap3A_139 = vector.shape_cast %broadcast_in_dim3A_4 : vector<16xf32> to vector<16xf32>
    tpu.vector_store %arg9[%swap3A_136], %swap3A_139 {strides = array<i32>} : memref<640xf32, #tpu.memory_space<vmem>>, vector<16xf32>,
    %swap3A_140 = arith.constant 544 : index
    %swap3A_141 = tpu.vector_load %arg9[%swap3A_140] {strides = array<i32>} : memref<640xf32, #tpu.memory_space<vmem>>, vector<16xf32>,
    %swap3A_142 = vector.shape_cast %swap3A_141 : vector<16xf32> to vector<16xf32>
    %swap3A_143 = vector.shape_cast %broadcast_in_dim3A_4 : vector<16xf32> to vector<16xf32>
    tpu.vector_store %arg9[%swap3A_140], %swap3A_143 {strides = array<i32>} : memref<640xf32, #tpu.memory_space<vmem>>, vector<16xf32>,
    %swap3A_144 = arith.constant 560 : index
    %swap3A_145 = tpu.vector_load %arg9[%swap3A_144] {strides = array<i32>} : memref<640xf32, #tpu.memory_space<vmem>>, vector<16xf32>,
    %swap3A_146 = vector.shape_cast %swap3A_145 : vector<16xf32> to vector<16xf32>
    %swap3A_147 = vector.shape_cast %broadcast_in_dim3A_4 : vector<16xf32> to vector<16xf32>
    tpu.vector_store %arg9[%swap3A_144], %swap3A_147 {strides = array<i32>} : memref<640xf32, #tpu.memory_space<vmem>>, vector<16xf32>,
    %swap3A_148 = arith.constant 576 : index
    %swap3A_149 = tpu.vector_load %arg9[%swap3A_148] {strides = array<i32>} : memref<640xf32, #tpu.memory_space<vmem>>, vector<16xf32>,
    %swap3A_150 = vector.shape_cast %swap3A_149 : vector<16xf32> to vector<16xf32>
    %swap3A_151 = vector.shape_cast %broadcast_in_dim3A_4 : vector<16xf32> to vector<16xf32>
    tpu.vector_store %arg9[%swap3A_148], %swap3A_151 {strides = array<i32>} : memref<640xf32, #tpu.memory_space<vmem>>, vector<16xf32>,
    %swap3A_152 = arith.constant 592 : index
    %swap3A_153 = tpu.vector_load %arg9[%swap3A_152] {strides = array<i32>} : memref<640xf32, #tpu.memory_space<vmem>>, vector<16xf32>,
    %swap3A_154 = vector.shape_cast %swap3A_153 : vector<16xf32> to vector<16xf32>
    %swap3A_155 = vector.shape_cast %broadcast_in_dim3A_4 : vector<16xf32> to vector<16xf32>
    tpu.vector_store %arg9[%swap3A_152], %swap3A_155 {strides = array<i32>} : memref<640xf32, #tpu.memory_space<vmem>>, vector<16xf32>,
    %swap3A_156 = arith.constant 608 : index
    %swap3A_157 = tpu.vector_load %arg9[%swap3A_156] {strides = array<i32>} : memref<640xf32, #tpu.memory_space<vmem>>, vector<16xf32>,
    %swap3A_158 = vector.shape_cast %swap3A_157 : vector<16xf32> to vector<16xf32>
    %swap3A_159 = vector.shape_cast %broadcast_in_dim3A_4 : vector<16xf32> to vector<16xf32>
    tpu.vector_store %arg9[%swap3A_156], %swap3A_159 {strides = array<i32>} : memref<640xf32, #tpu.memory_space<vmem>>, vector<16xf32>,
    %swap3A_160 = arith.constant 624 : index
    %swap3A_161 = tpu.vector_load %arg9[%swap3A_160] {strides = array<i32>} : memref<640xf32, #tpu.memory_space<vmem>>, vector<16xf32>,
    %swap3A_162 = vector.shape_cast %swap3A_161 : vector<16xf32> to vector<16xf32>
    %swap3A_163 = vector.shape_cast %broadcast_in_dim3A_4 : vector<16xf32> to vector<16xf32>
    tpu.vector_store %arg9[%swap3A_160], %swap3A_163 {strides = array<i32>} : memref<640xf32, #tpu.memory_space<vmem>>, vector<16xf32>,
    %mul3A_164 = arith.constant 640 : i32
    %mul3A_165 = arith.muli %arg1, %mul3A_164 : i32
    "tpu.region"() ({
      %run_scoped3A = tpu.sem_alloc : memref<!tpu.dma_semaphore, #tpu.memory_space<semaphore_mem>>
      %dma_start3A_234 = tpu.memref_slice %arg10[%mul3A_165] : memref<10240xf32, #tpu.memory_space<vmem_shared>> -> memref<640xf32, #tpu.memory_space<vmem_shared>>
      %dma_start3A_235 = tpu.memref_slice %arg10[%mul3A_165] : memref<10240xf32, #tpu.memory_space<vmem_shared>> -> memref<640xf32, #tpu.memory_space<vmem_shared>>
      tpu.enqueue_dma source(%arg9 : memref<640xf32, #tpu.memory_space<vmem>>) target(%dma_start3A_235 : memref<640xf32, #tpu.memory_space<vmem_shared>>) target_semaphore(%run_scoped3A : memref<!tpu.dma_semaphore, #tpu.memory_space<semaphore_mem>>)
      %dma_wait3A_236 = tpu.memref_slice %arg10[%mul3A_165] : memref<10240xf32, #tpu.memory_space<vmem_shared>> -> memref<640xf32, #tpu.memory_space<vmem_shared>>
      %dma_wait3A_237 = tpu.memref_slice %arg10[%mul3A_165] : memref<10240xf32, #tpu.memory_space<vmem_shared>> -> memref<640xf32, #tpu.memory_space<vmem_shared>>
      tpu.wait_dma2 semaphore(%run_scoped3A : memref<!tpu.dma_semaphore, #tpu.memory_space<semaphore_mem>>) src(%arg9 : memref<640xf32, #tpu.memory_space<vmem>>) dst(%dma_wait3A_237 : memref<640xf32, #tpu.memory_space<vmem_shared>>)
      tpu.yield
    }) : () -> ()
    %dma_wait3A = tpu.memref_slice %arg2[%mul3A_0] : memref<160000xf32, #tpu.memory_space<hbm>> -> memref<10000xf32, #tpu.memory_space<hbm>>
    %dma_wait3A_166 = tpu.memref_slice %arg2[%mul3A_0] : memref<160000xf32, #tpu.memory_space<hbm>> -> memref<10000xf32, #tpu.memory_space<hbm>>
    tpu.wait_dma2 semaphore(%arg11 : memref<!tpu.dma_semaphore, #tpu.memory_space<semaphore_mem>>) src(%dma_wait3A_166 : memref<10000xf32, #tpu.memory_space<hbm>>) dst(%arg6 : memref<10000xf32, #tpu.memory_space<vmem>>)
    %eq3A = arith.constant 1 : i32
    %eq3A_167 = arith.cmpi eq, %arg0, %eq3A : i32
    %scan3A = arith.constant 0 : i32
    %scan3A_168 = arith.constant 0 : i32
    %scan3A_169 = arith.constant 125 : i32
    %scan3A_170 = arith.addi %scan3A_168, %scan3A_169 : i32
    %scan3A_171 = arith.constant 1 : i32
    scf.for %scan3A_234 = %scan3A_168 to %scan3A_170 step %scan3A_171  : i32 {
      %mul3A_235 = arith.constant 5 : i32
      %mul3A_236 = arith.muli %scan3A_234, %mul3A_235 : i32
      %add3A = arith.constant 0 : i32
      %add3A_237 = arith.addi %mul3A_236, %add3A : i32
      %mul3A_238 = arith.constant 16 : i32
      %mul3A_239 = arith.muli %add3A_237, %mul3A_238 : i32
      %get3A = arith.index_cast %mul3A_239 : i32 to index
      %get3A_240 = tpu.vector_load %arg6[%get3A] {strides = array<i32>} : memref<10000xf32, #tpu.memory_space<vmem>>, vector<16xf32>,
      %get3A_241 = vector.shape_cast %get3A_240 : vector<16xf32> to vector<16xf32>
      %exp3A = math.exp %get3A_241 : vector<16xf32>
      %mul3A_242 = arith.mulf %exp3A, %get3A_241 : vector<16xf32>
      %select_n3A = arith.select %eq3A_167, %mul3A_242, %exp3A : vector<16xf32>
      %swap3A_243 = arith.index_cast %mul3A_239 : i32 to index
      %swap3A_244 = tpu.vector_load %arg8[%swap3A_243] {strides = array<i32>} : memref<10000xf32, #tpu.memory_space<vmem>>, vector<16xf32>,
      %swap3A_245 = vector.shape_cast %swap3A_244 : vector<16xf32> to vector<16xf32>
      %swap3A_246 = vector.shape_cast %select_n3A : vector<16xf32> to vector<16xf32>
      tpu.vector_store %arg8[%swap3A_243], %swap3A_246 {strides = array<i32>} : memref<10000xf32, #tpu.memory_space<vmem>>, vector<16xf32>,
      %mul3A_247 = arith.constant 5 : i32
      %mul3A_248 = arith.muli %scan3A_234, %mul3A_247 : i32
      %add3A_249 = arith.constant 1 : i32
      %add3A_250 = arith.addi %mul3A_248, %add3A_249 : i32
      %mul3A_251 = arith.constant 16 : i32
      %mul3A_252 = arith.muli %add3A_250, %mul3A_251 : i32
      %get3A_253 = arith.index_cast %mul3A_252 : i32 to index
      %get3A_254 = tpu.vector_load %arg6[%get3A_253] {strides = array<i32>} : memref<10000xf32, #tpu.memory_space<vmem>>, vector<16xf32>,
      %get3A_255 = vector.shape_cast %get3A_254 : vector<16xf32> to vector<16xf32>
      %exp3A_256 = math.exp %get3A_255 : vector<16xf32>
      %mul3A_257 = arith.mulf %exp3A_256, %get3A_255 : vector<16xf32>
      %select_n3A_258 = arith.select %eq3A_167, %mul3A_257, %exp3A_256 : vector<16xf32>
      %swap3A_259 = arith.index_cast %mul3A_252 : i32 to index
      %swap3A_260 = tpu.vector_load %arg8[%swap3A_259] {strides = array<i32>} : memref<10000xf32, #tpu.memory_space<vmem>>, vector<16xf32>,
      %swap3A_261 = vector.shape_cast %swap3A_260 : vector<16xf32> to vector<16xf32>
      %swap3A_262 = vector.shape_cast %select_n3A_258 : vector<16xf32> to vector<16xf32>
      tpu.vector_store %arg8[%swap3A_259], %swap3A_262 {strides = array<i32>} : memref<10000xf32, #tpu.memory_space<vmem>>, vector<16xf32>,
      %mul3A_263 = arith.constant 5 : i32
      %mul3A_264 = arith.muli %scan3A_234, %mul3A_263 : i32
      %add3A_265 = arith.constant 2 : i32
      %add3A_266 = arith.addi %mul3A_264, %add3A_265 : i32
      %mul3A_267 = arith.constant 16 : i32
      %mul3A_268 = arith.muli %add3A_266, %mul3A_267 : i32
      %get3A_269 = arith.index_cast %mul3A_268 : i32 to index
      %get3A_270 = tpu.vector_load %arg6[%get3A_269] {strides = array<i32>} : memref<10000xf32, #tpu.memory_space<vmem>>, vector<16xf32>,
      %get3A_271 = vector.shape_cast %get3A_270 : vector<16xf32> to vector<16xf32>
      %exp3A_272 = math.exp %get3A_271 : vector<16xf32>
      %mul3A_273 = arith.mulf %exp3A_272, %get3A_271 : vector<16xf32>
      %select_n3A_274 = arith.select %eq3A_167, %mul3A_273, %exp3A_272 : vector<16xf32>
      %swap3A_275 = arith.index_cast %mul3A_268 : i32 to index
      %swap3A_276 = tpu.vector_load %arg8[%swap3A_275] {strides = array<i32>} : memref<10000xf32, #tpu.memory_space<vmem>>, vector<16xf32>,
      %swap3A_277 = vector.shape_cast %swap3A_276 : vector<16xf32> to vector<16xf32>
      %swap3A_278 = vector.shape_cast %select_n3A_274 : vector<16xf32> to vector<16xf32>
      tpu.vector_store %arg8[%swap3A_275], %swap3A_278 {strides = array<i32>} : memref<10000xf32, #tpu.memory_space<vmem>>, vector<16xf32>,
      %mul3A_279 = arith.constant 5 : i32
      %mul3A_280 = arith.muli %scan3A_234, %mul3A_279 : i32
      %add3A_281 = arith.constant 3 : i32
      %add3A_282 = arith.addi %mul3A_280, %add3A_281 : i32
      %mul3A_283 = arith.constant 16 : i32
      %mul3A_284 = arith.muli %add3A_282, %mul3A_283 : i32
      %get3A_285 = arith.index_cast %mul3A_284 : i32 to index
      %get3A_286 = tpu.vector_load %arg6[%get3A_285] {strides = array<i32>} : memref<10000xf32, #tpu.memory_space<vmem>>, vector<16xf32>,
      %get3A_287 = vector.shape_cast %get3A_286 : vector<16xf32> to vector<16xf32>
      %exp3A_288 = math.exp %get3A_287 : vector<16xf32>
      %mul3A_289 = arith.mulf %exp3A_288, %get3A_287 : vector<16xf32>
      %select_n3A_290 = arith.select %eq3A_167, %mul3A_289, %exp3A_288 : vector<16xf32>
      %swap3A_291 = arith.index_cast %mul3A_284 : i32 to index
      %swap3A_292 = tpu.vector_load %arg8[%swap3A_291] {strides = array<i32>} : memref<10000xf32, #tpu.memory_space<vmem>>, vector<16xf32>,
      %swap3A_293 = vector.shape_cast %swap3A_292 : vector<16xf32> to vector<16xf32>
      %swap3A_294 = vector.shape_cast %select_n3A_290 : vector<16xf32> to vector<16xf32>
      tpu.vector_store %arg8[%swap3A_291], %swap3A_294 {strides = array<i32>} : memref<10000xf32, #tpu.memory_space<vmem>>, vector<16xf32>,
      %mul3A_295 = arith.constant 5 : i32
      %mul3A_296 = arith.muli %scan3A_234, %mul3A_295 : i32
      %add3A_297 = arith.constant 4 : i32
      %add3A_298 = arith.addi %mul3A_296, %add3A_297 : i32
      %mul3A_299 = arith.constant 16 : i32
      %mul3A_300 = arith.muli %add3A_298, %mul3A_299 : i32
      %get3A_301 = arith.index_cast %mul3A_300 : i32 to index
      %get3A_302 = tpu.vector_load %arg6[%get3A_301] {strides = array<i32>} : memref<10000xf32, #tpu.memory_space<vmem>>, vector<16xf32>,
      %get3A_303 = vector.shape_cast %get3A_302 : vector<16xf32> to vector<16xf32>
      %exp3A_304 = math.exp %get3A_303 : vector<16xf32>
      %mul3A_305 = arith.mulf %exp3A_304, %get3A_303 : vector<16xf32>
      %select_n3A_306 = arith.select %eq3A_167, %mul3A_305, %exp3A_304 : vector<16xf32>
      %swap3A_307 = arith.index_cast %mul3A_300 : i32 to index
      %swap3A_308 = tpu.vector_load %arg8[%swap3A_307] {strides = array<i32>} : memref<10000xf32, #tpu.memory_space<vmem>>, vector<16xf32>,
      %swap3A_309 = vector.shape_cast %swap3A_308 : vector<16xf32> to vector<16xf32>
      %swap3A_310 = vector.shape_cast %select_n3A_306 : vector<16xf32> to vector<16xf32>
      tpu.vector_store %arg8[%swap3A_307], %swap3A_310 {strides = array<i32>} : memref<10000xf32, #tpu.memory_space<vmem>>, vector<16xf32>,
    }
    %scan3A_172 = arith.constant 125 : i32
    %barrier3A = arith.constant 0 : index
    tpu.barrier barrier_id(%barrier3A)
    %dma_wait3A_173 = tpu.memref_slice %arg3[%mul3A_0] : memref<160000xi32, #tpu.memory_space<hbm>> -> memref<10000xi32, #tpu.memory_space<hbm>>
    %dma_wait3A_174 = tpu.memref_slice %arg3[%mul3A_0] : memref<160000xi32, #tpu.memory_space<hbm>> -> memref<10000xi32, #tpu.memory_space<hbm>>
    tpu.wait_dma2 semaphore(%arg12 : memref<!tpu.dma_semaphore, #tpu.memory_space<semaphore_mem>>) src(%dma_wait3A_174 : memref<10000xi32, #tpu.memory_space<hbm>>) dst(%arg7 : memref<10000xi32, #tpu.memory_space<vmem>>)
    %dma_start3A_175 = arith.constant 0 : i32
    %dma_start3A_176 = tpu.memref_slice %arg8[%dma_start3A_175] : memref<10000xf32, #tpu.memory_space<vmem>> -> memref<2496xf32, #tpu.memory_space<vmem>>
    %dma_start3A_177 = arith.constant 0 : i32
    %dma_start3A_178 = tpu.memref_slice %arg7[%dma_start3A_177] : memref<10000xi32, #tpu.memory_space<vmem>> -> memref<2496xi32, #tpu.memory_space<vmem>>
    %dma_start3A_179 = arith.constant 0 : i32
    %dma_start3A_180 = tpu.memref_slice %arg10[%dma_start3A_179] : memref<10240xf32, #tpu.memory_space<vmem_shared>> -> memref<10240xf32, #tpu.memory_space<vmem_shared>>
    tpu.enqueue_indirect_dma source(%dma_start3A_176 : memref<2496xf32, #tpu.memory_space<vmem>>) target(%dma_start3A_180 : memref<10240xf32, #tpu.memory_space<vmem_shared>>) offsets(%dma_start3A_178 : memref<2496xi32, #tpu.memory_space<vmem>>) semaphore(%arg13 : memref<!tpu.dma_semaphore, #tpu.memory_space<semaphore_mem>>) {add = true}
    %dma_start3A_181 = arith.constant 2496 : i32
    %dma_start3A_182 = tpu.memref_slice %arg8[%dma_start3A_181] : memref<10000xf32, #tpu.memory_space<vmem>> -> memref<2496xf32, #tpu.memory_space<vmem>>
    %dma_start3A_183 = arith.constant 2496 : i32
    %dma_start3A_184 = tpu.memref_slice %arg7[%dma_start3A_183] : memref<10000xi32, #tpu.memory_space<vmem>> -> memref<2496xi32, #tpu.memory_space<vmem>>
    %dma_start3A_185 = arith.constant 0 : i32
    %dma_start3A_186 = tpu.memref_slice %arg10[%dma_start3A_185] : memref<10240xf32, #tpu.memory_space<vmem_shared>> -> memref<10240xf32, #tpu.memory_space<vmem_shared>>
    tpu.enqueue_indirect_dma source(%dma_start3A_182 : memref<2496xf32, #tpu.memory_space<vmem>>) target(%dma_start3A_186 : memref<10240xf32, #tpu.memory_space<vmem_shared>>) offsets(%dma_start3A_184 : memref<2496xi32, #tpu.memory_space<vmem>>) semaphore(%arg14 : memref<!tpu.dma_semaphore, #tpu.memory_space<semaphore_mem>>) {add = true}
    %dma_start3A_187 = arith.constant 4992 : i32
    %dma_start3A_188 = tpu.memref_slice %arg8[%dma_start3A_187] : memref<10000xf32, #tpu.memory_space<vmem>> -> memref<2496xf32, #tpu.memory_space<vmem>>
    %dma_start3A_189 = arith.constant 4992 : i32
    %dma_start3A_190 = tpu.memref_slice %arg7[%dma_start3A_189] : memref<10000xi32, #tpu.memory_space<vmem>> -> memref<2496xi32, #tpu.memory_space<vmem>>
    %dma_start3A_191 = arith.constant 0 : i32
    %dma_start3A_192 = tpu.memref_slice %arg10[%dma_start3A_191] : memref<10240xf32, #tpu.memory_space<vmem_shared>> -> memref<10240xf32, #tpu.memory_space<vmem_shared>>
    tpu.enqueue_indirect_dma source(%dma_start3A_188 : memref<2496xf32, #tpu.memory_space<vmem>>) target(%dma_start3A_192 : memref<10240xf32, #tpu.memory_space<vmem_shared>>) offsets(%dma_start3A_190 : memref<2496xi32, #tpu.memory_space<vmem>>) semaphore(%arg15 : memref<!tpu.dma_semaphore, #tpu.memory_space<semaphore_mem>>) {add = true}
    %dma_start3A_193 = arith.constant 7488 : i32
    %dma_start3A_194 = tpu.memref_slice %arg8[%dma_start3A_193] : memref<10000xf32, #tpu.memory_space<vmem>> -> memref<2512xf32, #tpu.memory_space<vmem>>
    %dma_start3A_195 = arith.constant 7488 : i32
    %dma_start3A_196 = tpu.memref_slice %arg7[%dma_start3A_195] : memref<10000xi32, #tpu.memory_space<vmem>> -> memref<2512xi32, #tpu.memory_space<vmem>>
    %dma_start3A_197 = arith.constant 0 : i32
    %dma_start3A_198 = tpu.memref_slice %arg10[%dma_start3A_197] : memref<10240xf32, #tpu.memory_space<vmem_shared>> -> memref<10240xf32, #tpu.memory_space<vmem_shared>>
    tpu.enqueue_indirect_dma source(%dma_start3A_194 : memref<2512xf32, #tpu.memory_space<vmem>>) target(%dma_start3A_198 : memref<10240xf32, #tpu.memory_space<vmem_shared>>) offsets(%dma_start3A_196 : memref<2512xi32, #tpu.memory_space<vmem>>) semaphore(%arg16 : memref<!tpu.dma_semaphore, #tpu.memory_space<semaphore_mem>>) {add = true}
    %dma_wait3A_199 = arith.constant 0 : i32
    %dma_wait3A_200 = tpu.memref_slice %arg8[%dma_wait3A_199] : memref<10000xf32, #tpu.memory_space<vmem>> -> memref<2496xf32, #tpu.memory_space<vmem>>
    %dma_wait3A_201 = arith.constant 0 : i32
    %dma_wait3A_202 = tpu.memref_slice %arg7[%dma_wait3A_201] : memref<10000xi32, #tpu.memory_space<vmem>> -> memref<2496xi32, #tpu.memory_space<vmem>>
    %dma_wait3A_203 = arith.constant 0 : i32
    %dma_wait3A_204 = tpu.memref_slice %arg10[%dma_wait3A_203] : memref<10240xf32, #tpu.memory_space<vmem_shared>> -> memref<10240xf32, #tpu.memory_space<vmem_shared>>
    tpu.wait_indirect_dma semaphore(%arg13 : memref<!tpu.dma_semaphore, #tpu.memory_space<semaphore_mem>>) src(%dma_wait3A_200 : memref<2496xf32, #tpu.memory_space<vmem>>) dst(%dma_wait3A_204 : memref<10240xf32, #tpu.memory_space<vmem_shared>>)
    %dma_wait3A_205 = arith.constant 2496 : i32
    %dma_wait3A_206 = tpu.memref_slice %arg8[%dma_wait3A_205] : memref<10000xf32, #tpu.memory_space<vmem>> -> memref<2496xf32, #tpu.memory_space<vmem>>
    %dma_wait3A_207 = arith.constant 2496 : i32
    %dma_wait3A_208 = tpu.memref_slice %arg7[%dma_wait3A_207] : memref<10000xi32, #tpu.memory_space<vmem>> -> memref<2496xi32, #tpu.memory_space<vmem>>
    %dma_wait3A_209 = arith.constant 0 : i32
    %dma_wait3A_210 = tpu.memref_slice %arg10[%dma_wait3A_209] : memref<10240xf32, #tpu.memory_space<vmem_shared>> -> memref<10240xf32, #tpu.memory_space<vmem_shared>>
    tpu.wait_indirect_dma semaphore(%arg14 : memref<!tpu.dma_semaphore, #tpu.memory_space<semaphore_mem>>) src(%dma_wait3A_206 : memref<2496xf32, #tpu.memory_space<vmem>>) dst(%dma_wait3A_210 : memref<10240xf32, #tpu.memory_space<vmem_shared>>)
    %dma_wait3A_211 = arith.constant 4992 : i32
    %dma_wait3A_212 = tpu.memref_slice %arg8[%dma_wait3A_211] : memref<10000xf32, #tpu.memory_space<vmem>> -> memref<2496xf32, #tpu.memory_space<vmem>>
    %dma_wait3A_213 = arith.constant 4992 : i32
    %dma_wait3A_214 = tpu.memref_slice %arg7[%dma_wait3A_213] : memref<10000xi32, #tpu.memory_space<vmem>> -> memref<2496xi32, #tpu.memory_space<vmem>>
    %dma_wait3A_215 = arith.constant 0 : i32
    %dma_wait3A_216 = tpu.memref_slice %arg10[%dma_wait3A_215] : memref<10240xf32, #tpu.memory_space<vmem_shared>> -> memref<10240xf32, #tpu.memory_space<vmem_shared>>
    tpu.wait_indirect_dma semaphore(%arg15 : memref<!tpu.dma_semaphore, #tpu.memory_space<semaphore_mem>>) src(%dma_wait3A_212 : memref<2496xf32, #tpu.memory_space<vmem>>) dst(%dma_wait3A_216 : memref<10240xf32, #tpu.memory_space<vmem_shared>>)
    %dma_wait3A_217 = arith.constant 7488 : i32
    %dma_wait3A_218 = tpu.memref_slice %arg8[%dma_wait3A_217] : memref<10000xf32, #tpu.memory_space<vmem>> -> memref<2512xf32, #tpu.memory_space<vmem>>
    %dma_wait3A_219 = arith.constant 7488 : i32
    %dma_wait3A_220 = tpu.memref_slice %arg7[%dma_wait3A_219] : memref<10000xi32, #tpu.memory_space<vmem>> -> memref<2512xi32, #tpu.memory_space<vmem>>
    %dma_wait3A_221 = arith.constant 0 : i32
    %dma_wait3A_222 = tpu.memref_slice %arg10[%dma_wait3A_221] : memref<10240xf32, #tpu.memory_space<vmem_shared>> -> memref<10240xf32, #tpu.memory_space<vmem_shared>>
    tpu.wait_indirect_dma semaphore(%arg16 : memref<!tpu.dma_semaphore, #tpu.memory_space<semaphore_mem>>) src(%dma_wait3A_218 : memref<2512xf32, #tpu.memory_space<vmem>>) dst(%dma_wait3A_222 : memref<10240xf32, #tpu.memory_space<vmem_shared>>)
    %barrier3A_223 = arith.constant 0 : index
    tpu.barrier barrier_id(%barrier3A_223)
    %mul3A_224 = arith.constant 640 : i32
    %mul3A_225 = arith.muli %arg1, %mul3A_224 : i32
    "tpu.region"() ({
      %run_scoped3A = tpu.sem_alloc : memref<!tpu.dma_semaphore, #tpu.memory_space<semaphore_mem>>
      %dma_start3A_234 = tpu.memref_slice %arg10[%mul3A_225] : memref<10240xf32, #tpu.memory_space<vmem_shared>> -> memref<640xf32, #tpu.memory_space<vmem_shared>>
      %dma_start3A_235 = tpu.memref_slice %arg10[%mul3A_225] : memref<10240xf32, #tpu.memory_space<vmem_shared>> -> memref<640xf32, #tpu.memory_space<vmem_shared>>
      tpu.enqueue_dma source(%dma_start3A_235 : memref<640xf32, #tpu.memory_space<vmem_shared>>) target(%arg9 : memref<640xf32, #tpu.memory_space<vmem>>) target_semaphore(%run_scoped3A : memref<!tpu.dma_semaphore, #tpu.memory_space<semaphore_mem>>)
      %dma_wait3A_236 = tpu.memref_slice %arg10[%mul3A_225] : memref<10240xf32, #tpu.memory_space<vmem_shared>> -> memref<640xf32, #tpu.memory_space<vmem_shared>>
      %dma_wait3A_237 = tpu.memref_slice %arg10[%mul3A_225] : memref<10240xf32, #tpu.memory_space<vmem_shared>> -> memref<640xf32, #tpu.memory_space<vmem_shared>>
      tpu.wait_dma2 semaphore(%run_scoped3A : memref<!tpu.dma_semaphore, #tpu.memory_space<semaphore_mem>>) src(%dma_wait3A_237 : memref<640xf32, #tpu.memory_space<vmem_shared>>) dst(%arg9 : memref<640xf32, #tpu.memory_space<vmem>>)
      tpu.yield
    }) : () -> ()
    %eq3A_226 = arith.constant 0 : i32
    %eq3A_227 = arith.cmpi eq, %arg0, %eq3A_226 : i32
    %convert_element_type3A = arith.extui %eq3A_227 : i1 to i32
    %cond3A = arith.constant 0 : i32
    %cond3A_228 = arith.cmpi ne, %convert_element_type3A, %cond3A : i32
    scf.if %cond3A_228 {
      "tpu.region"() ({
        %run_scoped3A = tpu.sem_alloc : memref<!tpu.dma_semaphore, #tpu.memory_space<semaphore_mem>>
        %dma_start3A_234 = tpu.memref_slice %arg4[%mul3A_225] : memref<10240xf32, #tpu.memory_space<hbm>> -> memref<640xf32, #tpu.memory_space<hbm>>
        %dma_start3A_235 = tpu.memref_slice %arg4[%mul3A_225] : memref<10240xf32, #tpu.memory_space<hbm>> -> memref<640xf32, #tpu.memory_space<hbm>>
        tpu.enqueue_dma source(%arg9 : memref<640xf32, #tpu.memory_space<vmem>>) target(%dma_start3A_235 : memref<640xf32, #tpu.memory_space<hbm>>) target_semaphore(%run_scoped3A : memref<!tpu.dma_semaphore, #tpu.memory_space<semaphore_mem>>)
        %dma_wait3A_236 = tpu.memref_slice %arg4[%mul3A_225] : memref<10240xf32, #tpu.memory_space<hbm>> -> memref<640xf32, #tpu.memory_space<hbm>>
        %dma_wait3A_237 = tpu.memref_slice %arg4[%mul3A_225] : memref<10240xf32, #tpu.memory_space<hbm>> -> memref<640xf32, #tpu.memory_space<hbm>>
        tpu.wait_dma2 semaphore(%run_scoped3A : memref<!tpu.dma_semaphore, #tpu.memory_space<semaphore_mem>>) src(%arg9 : memref<640xf32, #tpu.memory_space<vmem>>) dst(%dma_wait3A_237 : memref<640xf32, #tpu.memory_space<hbm>>)
        tpu.yield
      }) : () -> ()
    } else {
    }
    %eq3A_229 = arith.constant 1 : i32
    %eq3A_230 = arith.cmpi eq, %arg0, %eq3A_229 : i32
    %convert_element_type3A_231 = arith.extui %eq3A_230 : i1 to i32
    %cond3A_232 = arith.constant 0 : i32
    %cond3A_233 = arith.cmpi ne, %convert_element_type3A_231, %cond3A_232 : i32
    scf.if %cond3A_233 {
      "tpu.region"() ({
        %run_scoped3A = tpu.sem_alloc : memref<!tpu.dma_semaphore, #tpu.memory_space<semaphore_mem>>
        %dma_start3A_234 = tpu.memref_slice %arg5[%mul3A_225] : memref<10240xf32, #tpu.memory_space<hbm>> -> memref<640xf32, #tpu.memory_space<hbm>>
        %dma_start3A_235 = tpu.memref_slice %arg5[%mul3A_225] : memref<10240xf32, #tpu.memory_space<hbm>> -> memref<640xf32, #tpu.memory_space<hbm>>
        tpu.enqueue_dma source(%arg9 : memref<640xf32, #tpu.memory_space<vmem>>) target(%dma_start3A_235 : memref<640xf32, #tpu.memory_space<hbm>>) target_semaphore(%run_scoped3A : memref<!tpu.dma_semaphore, #tpu.memory_space<semaphore_mem>>)
        %dma_wait3A_236 = tpu.memref_slice %arg5[%mul3A_225] : memref<10240xf32, #tpu.memory_space<hbm>> -> memref<640xf32, #tpu.memory_space<hbm>>
        %dma_wait3A_237 = tpu.memref_slice %arg5[%mul3A_225] : memref<10240xf32, #tpu.memory_space<hbm>> -> memref<640xf32, #tpu.memory_space<hbm>>
        tpu.wait_dma2 semaphore(%run_scoped3A : memref<!tpu.dma_semaphore, #tpu.memory_space<semaphore_mem>>) src(%arg9 : memref<640xf32, #tpu.memory_space<vmem>>) dst(%dma_wait3A_237 : memref<640xf32, #tpu.memory_space<hbm>>)
        tpu.yield
      }) : () -> ()
    } else {
    }
    return
  }
}

</mosaic_0001>

<sc_bundles>
// kernel: kernel.3.cloned.1.call-start
scs
__scs_entry_jumppad:
0x0: {  	(pc) =	sbr.rel $0x88, $3  }
0x1: {  	(tag) =	ssettag $0x0;
	lr =	simm.s32 $0x1  }
0x2: {  	[smem:$0x3F9F] =	sst lr;
	_ =	strace $0xD0000000  }
0x3: {  	_ = 	snop  }
0x4: {  	_ = 	snop  }
0x5: {  	_ = 	snop  }
0x6: {  	_ = 	snop  }
0x7: {  	_ = 	snop  }
__scs_overlays_trampoline_lowered:
0x8: {  	[smem:$0x3FAE] =	sst s0  }
0x9: {  	[smem:$0x3FAF] =	sst s1  }
0xa: {  	[smem:$0x3FB0] =	sst s2  }
0xb: {  	[smem:$0x3FB1] =	sst s3  }
0xc: {  	[smem:$0x3FB2] =	sst s4  }
0xd: {  	[smem:$0x3FB3] =	sst s5  }
0xe: {  	[smem:$0x3FB4] =	sst s6  }
0xf: {  	[smem:$0x3FB5] =	sst s7  }
0x10: {  	[smem:$0x3FB6] =	sst s8  }
0x11: {  	[smem:$0x3FB7] =	sst s9;
	s0 =	simm.s32 @!p0 $0x0  }
0x12: {  	s1 =	sld [smem:$0x3F9D];
	s0 =	simm.s32 @p0 $0x1  }
0x13: {  	[smem:$0x3FB8] =	sst s0;
	s0 =	simm.s32 @!p1 $0x0  }
0x14: {  	s2 =	sld [smem:$0x3F9C];
	s0 =	simm.s32 @p1 $0x1  }
0x15: {  	[smem:$0x3FB9] =	sst s0;
	s0 =	simm.s32 @!p2 $0x0  }
0x16: {  	s3 =	sld [smem:$0x3FDB];
	s0 =	simm.s32 @p2 $0x1  }
0x17: {  	s4 =	simm.s32 $0x1BF5;
	[smem:$0x3FBB] =	sst s0  }
0x18: {  	s0 =	sld [smem:$0x3F9E];
	_ =	swait.ge [sflag:s4], $0x0  }
0x19: {  	s7 =	sld [smem:$0x3F9F]  }
0x1a: {  	s8 =	sadd.s32 $0xFFFFE003, lr  }
0x1b: {  	s9 =	sadd.s32 $0xFFFFFEF7, lr;
	s5 =	simm.s32 $0xFFFFFFFF;
	p2 =	slt.u32 s8, $0xFFFFF086  }
0x1c: {  	p1 =	slt.u32 s9, $0xF7A;
	s5 =	simm.s32 @!p2 $0x0  }
0x1d: {  	s5 =	simm.s32 @p1 $0x1;
	p0 =	seq.s32 s7, s2  }
0x1e: {  	s7 =	smul.u32 @!p0 $0xF7A, s2;
	p2 =	seq.s32 @!p0 s5, $0x0  }
0x1f: {  	s9 =	smul.u32 $0xF7A, s1;
	s8 =	simm.s32 @!p0 $0x1BF5;
	p2 =	por !p2, p0  }
0x20: {  	[sflag:s8] =	ssyncset.s32 @!p0 $0xFFFFF086;
	s6 =	sadd.s32 @!p0 s3, s7;
	s7 =	simm.s32 @!p0 $0x108  }
0x21: {  	s3 =	sadd.s32 s3, s9;
	s6 =	sadd.s32 @!p0 $0x88, s6;
	s7 =	simm.s32 @p2 $0x1082  }
0x22: {  	[simem:s7], [sflag:s8] =	dma.local @!p0 [hbm:s6], $0xF7A  }
0x23: {  	s9 =	sor.u32 $0xD0000000, s2;
	s6 =	simm.s32 $0x108;
	_ =	swait.ge @!p0 [sflag:s8], $0x0  }
0x24: {  	s3 =	sadd.s32 $0x88, s3;
	s6 =	simm.s32 @!p1 $0x1082;
	[sflag:s4] =	ssyncset.s32 $0xFFFFF086  }
0x25: {  	[simem:s6], [sflag:s4] =	dma.local [hbm:s3], $0xF7A  }
0x26: {  	[smem:$0x3F9F] =	sst s1;
	(tag) =	ssettag s2;
	_ =	strace s9  }
0x27: {  	s1 =	sld [smem:$0x3FAF]  }
0x28: {  	s2 =	sld [smem:$0x3FB0]  }
0x29: {  	s4 =	sld [smem:$0x3FB2]  }
0x2a: {  	p0 =	seq.s32 s5, $0x0;
	s5 =	sld [smem:$0x3FB3]  }
0x2b: {  	s6 =	sld [smem:$0x3FB4]  }
0x2c: {  	s7 =	sld [smem:$0x3FB5]  }
0x2d: {  	s3 =	simm.s32 $0x108;
	s8 =	sld [smem:$0x3FB6]  }
0x2e: {  	s3 =	simm.s32 @!p0 $0x1082;
	s9 =	sld [smem:$0x3FB7]  }
0x2f: {  	lr =	sadd.s32 s0, s3;
	s0 =	sld [smem:$0x3FAE]  }
0x30: {  	s3 =	sld [smem:$0x3FB1]  }
0x31: {  	[smem:$0x3FBA] =	sst s10  }
0x32: {  	s10 =	sld [smem:$0x3FB8];
	_ =	sdelay $0x3  }
0x33: {  	p0 =	seq.s32 s10, $0x1;
	s10 =	sld [smem:$0x3FBA];
	_ =	sdelay $0x3  }
0x34: {  	[smem:$0x3FBA] =	sst s10  }
0x35: {  	s10 =	sld [smem:$0x3FB9];
	_ =	sdelay $0x3  }
0x36: {  	p1 =	seq.s32 s10, $0x1;
	s10 =	sld [smem:$0x3FBA];
	_ =	sdelay $0x3  }
0x37: {  	[smem:$0x3FBA] =	sst s10  }
0x38: {  	s10 =	sld [smem:$0x3FBB]  }
0x39: {  	_ = 	snop;
	(pc) =	sbr.ind lr, $3  }
0x3a: {  	_ = 	snop  }
0x3b: {  	_ = 	snop  }
0x3c: {  	p2 =	seq.s32 s10, $0x1;
	s10 =	sld [smem:$0x3FBA]  }
0x3d: {  	_ =	shalt  }
0x3e: {  	_ =	shalt  }
0x3f: {  	_ =	shalt  }
0x40: {  	_ =	shalt  }
0x41: {  	_ =	shalt  }
0x42: {  	_ =	shalt  }
0x43: {  	_ =	shalt  }
0x44: {  	_ =	shalt  }
0x45: {  	_ =	shalt  }
0x46: {  	_ =	shalt  }
0x47: {  	_ =	shalt  }
0x48: {  	_ =	shalt  }
0x49: {  	_ =	shalt  }
0x4a: {  	_ =	shalt  }
0x4b: {  	_ =	shalt  }
0x4c: {  	_ =	shalt  }
0x4d: {  	_ =	shalt  }
0x4e: {  	_ =	shalt  }
0x4f: {  	_ =	shalt  }
0x50: {  	_ =	shalt  }
0x51: {  	_ =	shalt  }
0x52: {  	_ =	shalt  }
0x53: {  	_ =	shalt  }
0x54: {  	_ =	shalt  }
0x55: {  	_ =	shalt  }
0x56: {  	_ =	shalt  }
0x57: {  	_ =	shalt  }
0x58: {  	_ =	shalt  }
0x59: {  	_ =	shalt  }
0x5a: {  	_ =	shalt  }
0x5b: {  	_ =	shalt  }
0x5c: {  	_ =	shalt  }
0x5d: {  	_ =	shalt  }
0x5e: {  	_ =	shalt  }
0x5f: {  	_ =	shalt  }
0x60: {  	_ =	shalt  }
0x61: {  	_ =	shalt  }
0x62: {  	_ =	shalt  }
0x63: {  	_ =	shalt  }
0x64: {  	_ =	shalt  }
0x65: {  	_ =	shalt  }
0x66: {  	_ =	shalt  }
0x67: {  	_ =	shalt  }
0x68: {  	_ =	shalt  }
0x69: {  	_ =	shalt  }
0x6a: {  	_ =	shalt  }
0x6b: {  	_ =	shalt  }
0x6c: {  	_ =	shalt  }
0x6d: {  	_ =	shalt  }
0x6e: {  	_ =	shalt  }
0x6f: {  	_ =	shalt  }
0x70: {  	_ =	shalt  }
0x71: {  	_ =	shalt  }
0x72: {  	_ =	shalt  }
0x73: {  	_ =	shalt  }
0x74: {  	_ =	shalt  }
0x75: {  	_ =	shalt  }
0x76: {  	_ =	shalt  }
0x77: {  	_ =	shalt  }
0x78: {  	_ =	shalt  }
0x79: {  	_ =	shalt  }
0x7a: {  	_ =	shalt  }
0x7b: {  	_ =	shalt  }
0x7c: {  	_ =	shalt  }
0x7d: {  	_ =	shalt  }
0x7e: {  	_ =	shalt  }
0x7f: {  	_ =	shalt  }
0x80: {  	_ =	shalt  }
0x81: {  	_ =	shalt  }
0x82: {  	_ =	shalt  }
0x83: {  	_ =	shalt  }
0x84: {  	_ =	shalt  }
0x85: {  	_ =	shalt  }
0x86: {  	_ =	shalt  }
0x87: {  	_ =	shalt  }
.Lfunc_end0:
.L_simem_size_0:
called_computation_lowered:
.L_overlay_start_0:
0x88: {  	s2 =	sld [smem:$0x3FD9]  }
0x89: {  	s3 =	sld [smem:$0x3FFE];
	_ =	sdelay $0x1  }
0x8a: {  	s1 =	srdreg.scid  }
0x8b: {  	s0 =	sand.u32 $0x1, s1  }
0x8c: {  	s17 =	sshll.u32 s0, $0xA;
	s2 =	sadd.s32 s3, s2  }
0x8d: {  	s2 =	sadd.s32 s2, s17  }
0x8e: {  	[smem:$0x3FC6] =	sst s2  }
0x8f: {  	_ = 	snop  }
0x90: {  	s2 =	sld [smem:$0x3FC9]  }
0x91: {  	s18 =	sld [smem:$0x3FC8];
	(tm) =	ssettm $0x1  }
0x92: {  	s4 =	sld [smem:$0x3FFB];
	_ =	sdelay $0x3  }
0x93: {  	_ =	strace s4  }
0x94: {  	s4 =	sld [smem:$0x3FFC];
	_ =	sdelay $0x3  }
0x95: {  	_ =	strace s4  }
0x96: {  	s4 =	sld [smem:$0x3FFD];
	_ =	sdelay $0x3  }
0x97: {  	_ =	strace s4  }
0x98: {  	_ =	strace $0x8FFFFFFF  }
0x99: {  	s19 =	sld [smem:$0x3FDB];
	_ =	sdelay $0x1  }
0x9a: {  	s5 =	simm.s32 $_scs_section_size  }
0x9b: {  	s6 =	simm.s32 $_size__tile_overlayer_lowered;
	s7 =	simm.s32 $_tile_overlayer_lowered  }
0x9c: {  	s22 =	simm.s32 $0x1BFF;
	s21 =	sshll.u32 s7, $0x1;
	s4 =	sadd.s32 s5, s19  }
0x9d: {  	s8 =	simm.s32 $0x0;
	s20 =	sshll.u32 s6, $0x1;
	s6 =	sadd.s32 s21, s4  }
0x9e: {  	[timem:s8], [sflag:s22] =	dma.local [hbm:s6], s20  }
0x9f: {  	_ =	swait.ge [sflag:s22], s20  }
0xa0: {  	s5 =	ssub.s32 $0x0, s20;
	[sflag:s22] =	ssyncset.done $0x0  }
0xa1: {  	[sflag:s22] =	ssyncadd.s32 s5;
	_ =	sdelay $0x1  }
0xa2: {  	s23 =	simm.s32 $0x1B8B  }
0xa3: {  	_ =	swait.ge [sflag:s23], $0x1  }
0xa4: {  	[sflag:s23] =	ssyncset.done $0x0  }
0xa5: {  	s25 =	simm.s32 $0x1B8E;
	s24 =	sld [smem:$0x3FFE];
	[sflag:s23] =	ssyncadd.s32 $0xFFFFFFFF  }
0xa6: {  	s26 =	simm.s32 $execute0_lowered;
	[smem:$0x3FD2] =	sst s25  }
0xa7: {  	s6 =	sshll.u32 s26, $0x1;
	_ =	strace $0x80000046;
	[dreg:$0x1] =	wrdreg $0xFFFFFFFF  }
0xa8: {  	s28 =	simm.s32 $_size_execute0_lowered;
	s4 =	sadd.s32 s4, s6;
	[dreg:$0x0] =	wrdreg $0x0  }
0xa9: {  	s6 =	sshll.u32 s28, $0x1;
	[dreg:$0x2] =	wrdreg s4  }
0xaa: {  	[dreg:$0x3] =	wrdreg s6  }
0xab: {  	[dreg:$0x4] =	wrdreg $0xC0  }
0xac: {  	_ =	task [dreg:s8], $0x5FFFF  }
0xad: {  	[dreg:$0x1] =	wrdreg $0xFFFFFFFF  }
0xae: {  	[dreg:$0x0] =	wrdreg $0x60  }
0xaf: {  	[dreg:$0x2] =	wrdreg s2  }
0xb0: {  	[dreg:$0x3] =	wrdreg s18  }
0xb1: {  	[dreg:$0x4] =	wrdreg s24  }
0xb2: {  	[dreg:$0x5] =	wrdreg $0x79000  }
0xb3: {  	[dreg:$0x6] =	wrdreg $0x9  }
0xb4: {  	_ =	task.clear_ibuf [dreg:s8], $0x7FFFF;
	_ =	strace $0x90000046  }
0xb5: {  	s29 =	simm.s32 $0x9;
	_ =	strace $0x80000048  }
0xb6: {  	_ =	swait.ge [sflag:s29], $0x1  }
0xb7: {  	[sflag:s29] =	ssyncadd.s32 $0xFFFFFFFF  }
0xb8: {  	_ =	strace $0x90000048  }
0xb9: {  	_ =	sfence  }
0xba: {  	s30 =	sld [smem:$0x0];
	_ =	sdelay $0x2  }
0xbb: {  	s31 =	sshll.u32 s1, $0xD;
	s1 =	sshrl.u32 s1, $0x2  }
0xbc: {  	s3 =	sand.u32 $0x4000, s31;
	s1 =	sadd.s32 s1, s30  }
0xbd: {  	s0 =	sor.u32 s3, s0;
	s1 =	sshll.u32 s1, $0x11  }
0xbe: {  	s0 =	sor.u32 s1, s0  }
0xbf: {  	s0 =	sadd.s32 $0x8F2B, s0  }
0xc0: {  	[sflag:s0] =	ssyncadd.remote.s32 $0x1  }
0xc1: {  	_ =	sfence.sel $0xFFFF  }
0xc2: {  	[dreg:$0x0] =	wrdreg $0xFFFFFFFF;
	(pc) =	sbr.abs _section_cstart, $3  }
0xc3: {  	[dreg:$0x1] =	wrdreg $0xFFFFFFFF  }
0xc4: {  	_ =	task.clear_ibuf [dreg:s8], $0x2FFFF;
	_ =	strace $0x9FFFFFFF  }
0xc5: {  	(tm) =	ssettm $0x7FFFFFFF  }
tec
execute0_lowered:
.L_overlay_start_1:
0x0: {  	(tag) =	ssettag $0x1  }
0x1: {  	s0 =	rddreg [dreg:$0x0]  }
0x2: {  	s2 =	rddreg [dreg:$0x1]  }
0x3: {  	s7 =	rddreg [dreg:$0x2]  }
0x4: {  	s3 =	srdreg.scid;
	s1 =	rddreg [dreg:$0x3]  }
0x5: {  	s9 =	stileid.u32;
	s10 =	simm.s32 $0x800;
	s11 =	simm.s32 $0x7  }
0x6: {  	s12 =	simm.s32 $0x1;
	s13 =	simm.s32 $0x2;
	s14 =	simm.s32 $0x9C0  }
0x7: {  	s15 =	simm.s32 $0x4F00;
	s16 =	simm.s32 $0x3140;
	s17 =	simm.s32 $0x58C0  }
0x8: {  	s18 =	simm.s32 $0x3B00;
	s19 =	simm.s32 $0x6280;
	s20 =	simm.s32 $0x9D0  }
0x9: {  	s21 =	simm.s32 $0x44C0;
	s22 =	simm.s32 $0x6C40;
	s23 =	simm.s32 $0x3  }
0xa: {  	s24 =	simm.s32 $0x4;
	s25 =	simm.s32 $0x5;
	s26 =	simm.s32 $0x6  }
0xb: {  	s28 =	simm.s32 $0x0;
	s4 =	sand.u32 $0x1, s3;
	s29 =	smul.u32 $0x4E2, s9  }
0xc: {  	s3 =	simm.s32 $0x0;
	s9 =	smul.u32 $0x280, s9;
	s5 =	ssub.s32 $0x2, s4  }
0xd: {  	[smem:$0x7FF] =	sst s3;
	p0 =	seq.s32 s4, $0x0;
	s6 =	sshrl.u32 s5, $0x1  }
0xe: {  	_ =	strace $0x80000047;
	s4 =	sadd.s32 s0, s29;
	s10 =	simm.s32 @!p0 $0xE00  }
0xf: {  	s30 =	sshrl.u32 s9, $0x3;
	s8 =	ssub.s32 s5, s6;
	s5 =	sadd.s32 s2, s29  }
0x10: {  	s6 =	sadd.s32 s9, s1;
	s31 =	sadd.s32 s10, s7;
	s9 =	simm.s32 $0x2780  }
0x11: {  	v0 =	vimm.f32 $0.0e+00;
	s10 =	simm.s32 $0x7680;
	s7 =	smax.u32 s8, $0x1;
	s8 =	sadd.s32 s31, s30  }
.LBB2_1:
0x12: {  	[tilespmem:s3], [sflag:$0x1] =	stream.linear.gather [hbm4b:s4+s3], $0x2710, $0x38;
	[tilespmem:$0x7B80] =	vst v63  }
0x13: {  	_ = 	snop  }
0x14: {  	[tilespmem:s9], [sflag:$0x2] =	stream.linear.gather [hbm4b:s5+s3], $0x2710, $0x38;
	[tilespmem:$0x7B80] =	vst v63  }
0x15: {  	[tilespmem:$0x7680] =	vst v0  }
0x16: {  	[tilespmem:$0x7690] =	vst v0  }
0x17: {  	[tilespmem:$0x76A0] =	vst v0  }
0x18: {  	[tilespmem:$0x76B0] =	vst v0  }
0x19: {  	[tilespmem:$0x76C0] =	vst v0  }
0x1a: {  	[tilespmem:$0x76D0] =	vst v0  }
0x1b: {  	[tilespmem:$0x76E0] =	vst v0  }
0x1c: {  	[tilespmem:$0x76F0] =	vst v0  }
0x1d: {  	[tilespmem:$0x7700] =	vst v0  }
0x1e: {  	[tilespmem:$0x7710] =	vst v0  }
0x1f: {  	[tilespmem:$0x7720] =	vst v0  }
0x20: {  	[tilespmem:$0x7730] =	vst v0  }
0x21: {  	[tilespmem:$0x7740] =	vst v0  }
0x22: {  	[tilespmem:$0x7750] =	vst v0  }
0x23: {  	[tilespmem:$0x7760] =	vst v0  }
0x24: {  	[tilespmem:$0x7770] =	vst v0  }
0x25: {  	[tilespmem:$0x7780] =	vst v0  }
0x26: {  	[tilespmem:$0x7790] =	vst v0  }
0x27: {  	[tilespmem:$0x77A0] =	vst v0  }
0x28: {  	[tilespmem:$0x77B0] =	vst v0  }
0x29: {  	[tilespmem:$0x77C0] =	vst v0  }
0x2a: {  	[tilespmem:$0x77D0] =	vst v0  }
0x2b: {  	[tilespmem:$0x77E0] =	vst v0  }
0x2c: {  	[tilespmem:$0x77F0] =	vst v0  }
0x2d: {  	[tilespmem:$0x7800] =	vst v0  }
0x2e: {  	[tilespmem:$0x7810] =	vst v0  }
0x2f: {  	[tilespmem:$0x7820] =	vst v0  }
0x30: {  	[tilespmem:$0x7830] =	vst v0  }
0x31: {  	[tilespmem:$0x7840] =	vst v0  }
0x32: {  	[tilespmem:$0x7850] =	vst v0  }
0x33: {  	[tilespmem:$0x7860] =	vst v0  }
0x34: {  	[tilespmem:$0x7870] =	vst v0  }
0x35: {  	[tilespmem:$0x7880] =	vst v0  }
0x36: {  	[tilespmem:$0x7890] =	vst v0  }
0x37: {  	[tilespmem:$0x78A0] =	vst v0  }
0x38: {  	[tilespmem:$0x78B0] =	vst v0  }
0x39: {  	[tilespmem:$0x78C0] =	vst v0  }
0x3a: {  	[tilespmem:$0x78D0] =	vst v0  }
0x3b: {  	[tilespmem:$0x78E0] =	vst v0  }
0x3c: {  	[tilespmem:$0x78F0] =	vst v0  }
0x3d: {  	[spmem:s6] =	stream.linear.scatter [tilespmem:s10], [sflag:$0x7], $0x280, $0x38;
	[tilespmem:$0x7B80] =	vst v63  }
0x3e: {  	_ =	swait.ge [sflag:s11], $0x280  }
0x3f: {  	[sflag:s11] =	ssyncset.done $0x0  }
0x40: {  	[sflag:s11] =	ssyncadd.s32 $0xFFFFFD80  }
0x41: {  	_ =	swait.ge [sflag:s12], $0x2710  }
0x42: {  	[sflag:s12] =	ssyncset.done $0x0  }
0x43: {  	s31 =	simm.s32 $0x0;
	[sflag:s12] =	ssyncadd.s32 $0xFFFFD8F0  }
0x44: {  	v1 =	vld [tilespmem:s31+$0x40]  }
0x45: {  	v2 =	vld [tilespmem:s31+$0x0];
	_ =	sdelay $0x1  }
0x46: {  	v11 =	vld [tilespmem:s31+$0x10]  }
0x47: {  	v12 =	vld [tilespmem:s31+$0x20]  }
0x48: {  	v14 =	vld [tilespmem:s31+$0x30];
	v3 =	vmul.f32 $1.442695020e+00, v1  }
0x49: {  	s30 =	simm.s32 $0x50;
	v4 =	vmul.f32 $1.442695020e+00, v2  }
0x4a: {  	v7 =	vld [tilespmem:s30+$0x40];
	(erf) = vpow2.f32 v3  }
0x4b: {  	v5 =	vld [tilespmem:s30+$0x0];
	v6 =	vmul.f32 $1.442695020e+00, v11;
	(erf) = vpow2.f32 v4  }
0x4c: {  	v9 =	vld [tilespmem:s30+$0x10];
	v3 =	vmul.f32 $1.442695020e+00, v12  }
0x4d: {  	v4 =	vmul.f32 $1.442695020e+00, v14;
	(erf) = vpow2.f32 v6;
	v6 =	vld [tilespmem:s30+$0x20]  }
0x4e: {  	(erf) = vpow2.f32 v3;
	v3 =	vld [tilespmem:s30+$0x30]  }
0x4f: {  	(erf) = vpow2.f32 v4  }
0x50: {  	v4 =	vmul.f32 $1.442695020e+00, v7  }
0x51: {  	s29 =	simm.s32 $0xA0;
	v8 =	vmul.f32 $1.442695020e+00, v5;
	v13 =	vmul.f32 $1.442695020e+00, v9  }
0x52: {  	v10 =	vld [tilespmem:s29+$0x40];
	(erf) = vpow2.f32 v4;
	v15 =	vmul.f32 $1.442695020e+00, v6  }
0x53: {  	(erf) = vpow2.f32 v8;
	v8 =	vld [tilespmem:s29+$0x0];
	v17 =	vmul.f32 $1.442695020e+00, v3;
	v16 =	vpop (erf)  }
0x54: {  	(erf) = vpow2.f32 v13;
	v1 =	vmul.f32 v16, v1;
	v18 =	vpop (erf)  }
0x55: {  	v4 =	vld [tilespmem:s29+$0x10];
	(erf) = vpow2.f32 v15;
	v13 =	vmul.f32 v18, v2  }
0x56: {  	v2 =	vld [tilespmem:s29+$0x20];
	v15 =	vpop (erf);
	(erf) = vpow2.f32 v17;
	v16 =	vpsel p0, v16, v1  }
0x57: {  	v1 =	vld [tilespmem:s29+$0x30];
	v11 =	vmul.f32 v15, v11;
	v17 =	vpop (erf);
	v13 =	vpsel p0, v18, v13;
	[tilespmem:s31+$0x4F40] =	vst v16;
	v16 =	vmul.f32 $1.442695020e+00, v10  }
0x58: {  	v63 =	vmul.f32 v17, v12;
	v12 =	vpop (erf);
	[tilespmem:s31+$0x4F00] =	vst v13;
	v13 =	vmul.f32 $1.442695020e+00, v8  }
0x59: {  	v15 =	vpsel p0, v15, v11;
	v14 =	vmul.f32 v12, v14;
	(erf) = vpow2.f32 v16  }
0x5a: {  	s0 =	simm.s32 $0xF0;
	s2 =	simm.s32 $0x500;
	v11 =	vmul.f32 $1.442695020e+00, v4;
	[tilespmem:s31+$0x4F10] =	vst v15;
	v15 =	vpsel p0, v17, v63  }
.LBB2_2:
0x5b: {  	p1 =	sne.s32 s2, $0x9B00;
	v16 =	vld [tilespmem:s0+$0x40];
	v22 =	vmul.f32 $1.442695020e+00, v2;
	(erf) = vpow2.f32 v13;
	v13 =	vpop (erf);
	[tilespmem:s31+$0x4F20] =	vst v15;
	v12 =	vpsel p0, v12, v14  }
0x5c: {  	v15 =	vld [tilespmem:s0+$0x0];
	v14 =	vmul.f32 $1.442695020e+00, v1;
	v23 =	vmul.f32 v13, v7;
	v19 =	vpop (erf);
	[tilespmem:s31+$0x4F30] =	vst v12;
	v7 =	vmov v10;
	s31 =	smov.u32 s30;
	s30 =	smov.u32 s29;
	s29 =	smov.u32 s0  }
0x5d: {  	v21 =	vmovc v2;
	v20 =	vld [tilespmem:s29+$0x10];
	(erf) = vpow2.f32 v11;
	v24 =	vmul.f32 v19, v5;
	v5 =	vmovc v8;
	v8 =	vmov v3  }
.Ltmp0:
0x5e: {  	v3 =	vmov v1;
	v2 =	vld [tilespmem:s29+$0x20];
	(erf) = vpow2.f32 v22;
	v11 =	vpsel p0, v13, v23;
	v17 =	vpop (erf);
	(pc) =	sbr.rel @p1 .LBB2_2-.Ltmp0, $4  }
0x5f: {  	v1 =	vld [tilespmem:s29+$0x30];
	(erf) = vpow2.f32 v14;
	v13 =	vpsel p0, v19, v24;
	v22 =	vmul.f32 v17, v9;
	[tilespmem:s31+$0x4F40] =	vst v11;
	v18 =	vpop (erf)  }
0x60: {  	v19 =	vmul.f32 $1.442695020e+00, v16;
	[tilespmem:s31+$0x4F00] =	vst v13;
	v23 =	vmul.f32 v18, v6;
	v12 =	vpop (erf);
	v10 =	vmov v16  }
0x61: {  	v9 =	vmovc v4;
	v13 =	vmul.f32 $1.442695020e+00, v15;
	v16 =	vpsel p0, v17, v22;
	v14 =	vmul.f32 v12, v8;
	v8 =	vmovc v15  }
0x62: {  	s0 =	sshra.s32 s2, $0x2;
	s2 =	sadd.s32 $0x140, s2;
	v6 =	vmovc v21;
	v11 =	vmul.f32 $1.442695020e+00, v20;
	(erf) = vpow2.f32 v19;
	[tilespmem:s31+$0x4F10] =	vst v16;
	v15 =	vpsel p0, v18, v23;
	v4 =	vmovc v20  }
0x63: {  	v16 =	vld [tilespmem:s0+$0x40];
	[tilespmem:s31+$0x4F20] =	vst v15;
	v12 =	vpsel p0, v12, v14  }
0x64: {  	v39 =	vmul.f32 $1.442695020e+00, v2;
	(erf) = vpow2.f32 v13;
	v40 =	vpop (erf);
	v38 =	vld [tilespmem:s0+$0x0];
	[tilespmem:s31+$0x4F30] =	vst v12  }
0x65: {  	v41 =	vmul.f32 $1.442695020e+00, v1;
	v18 =	vpop (erf);
	(erf) = vpow2.f32 v11;
	v17 =	vld [tilespmem:s0+$0x10]  }
0x66: {  	v7 =	vmul.f32 v40, v7;
	v42 =	vld [tilespmem:s0+$0x20];
	(erf) = vpow2.f32 v39;
	v19 =	vpop (erf)  }
0x67: {  	v5 =	vmul.f32 v18, v5;
	v43 =	vld [tilespmem:s0+$0x30];
	(erf) = vpow2.f32 v41;
	v47 =	vpop (erf)  }
0x68: {  	v9 =	vmul.f32 v19, v9;
	v44 =	vmul.f32 $1.442695020e+00, v16;
	v49 =	vpop (erf)  }
0x69: {  	v20 =	vmul.f32 $1.442695020e+00, v38;
	v3 =	vmul.f32 v49, v3  }
0x6a: {  	(erf) = vpow2.f32 v44;
	v45 =	vmul.f32 $1.442695020e+00, v17  }
0x6b: {  	v46 =	vmul.f32 $1.442695020e+00, v42;
	(erf) = vpow2.f32 v20  }
0x6c: {  	v7 =	vpsel p0, v40, v7;
	v48 =	vmul.f32 $1.442695020e+00, v43;
	v51 =	vpop (erf);
	(erf) = vpow2.f32 v45  }
0x6d: {  	v5 =	vpsel p0, v18, v5;
	[tilespmem:s30+$0x4F40] =	vst v7;
	v54 =	vmul.f32 v51, v10;
	(erf) = vpow2.f32 v46  }
0x6e: {  	v6 =	vmul.f32 v47, v6;
	[tilespmem:s30+$0x4F00] =	vst v5;
	v3 =	vpsel p0, v49, v3;
	(erf) = vpow2.f32 v48  }
0x6f: {  	v50 =	vpsel p0, v19, v9;
	v52 =	vpop (erf);
	[tilespmem:s30+$0x4F30] =	vst v3;
	v3 =	vpsel p0, v51, v54  }
0x70: {  	[tilespmem:s30+$0x4F10] =	vst v50;
	v53 =	vpsel p0, v47, v6;
	v55 =	vpop (erf);
	v56 =	vmul.f32 v52, v8  }
0x71: {  	[tilespmem:s30+$0x4F20] =	vst v53;
	v4 =	vmul.f32 v55, v4;
	v57 =	vpop (erf)  }
0x72: {  	v5 =	vpsel p0, v52, v56;
	[tilespmem:s29+$0x4F40] =	vst v3;
	v2 =	vmul.f32 v57, v2;
	v3 =	vpop (erf)  }
0x73: {  	[tilespmem:s29+$0x4F00] =	vst v5;
	v4 =	vpsel p0, v55, v4;
	v1 =	vmul.f32 v3, v1;
	v58 =	vpop (erf)  }
0x74: {  	[tilespmem:s29+$0x4F10] =	vst v4;
	v2 =	vpsel p0, v57, v2;
	v59 =	vmul.f32 v58, v16;
	v60 =	vpop (erf)  }
0x75: {  	[tilespmem:s29+$0x4F20] =	vst v2;
	v1 =	vpsel p0, v3, v1;
	v2 =	vmul.f32 v60, v38;
	v3 =	vpop (erf)  }
0x76: {  	[tilespmem:s29+$0x4F30] =	vst v1;
	v1 =	vpsel p0, v58, v59;
	v61 =	vmul.f32 v3, v17;
	v62 =	vpop (erf)  }
0x77: {  	v2 =	vpsel p0, v60, v2;
	[tilespmem:s0+$0x4F40] =	vst v1;
	v1 =	vmul.f32 v62, v42;
	v63 =	vpop (erf)  }
0x78: {  	[tilespmem:s0+$0x4F00] =	vst v2;
	v2 =	vpsel p0, v3, v61;
	v3 =	vmul.f32 v63, v43  }
0x79: {  	[tilespmem:s0+$0x4F10] =	vst v2;
	v1 =	vpsel p0, v62, v1  }
0x7a: {  	[tilespmem:s0+$0x4F20] =	vst v1;
	v1 =	vpsel p0, v63, v3  }
0x7b: {  	[tilespmem:s0+$0x4F30] =	vst v1  }
0x7c: {  	[bflag:$0x0] =	sbarrier.arrive $0xFFFF  }
0x7d: {  	_ =	swait.ge [sflag:s13], $0x2710  }
0x7e: {  	[sflag:s13] =	ssyncset.done $0x0  }
0x7f: {  	[sflag:s13] =	ssyncadd.s32 $0xFFFFD8F0  }
0x80: {  	[spmem:s1] =	stream.indirect.scatter.add.f32 [tilespmem:s15], [sflag:$0x3], $0x1, s9, s14, $0xb8;
	[tilespmem:$0x7B80] =	vst v63  }
0x81: {  	_ = 	snop  }
0x82: {  	[spmem:s1] =	stream.indirect.scatter.add.f32 [tilespmem:s17], [sflag:$0x4], $0x1, s16, s14, $0xb8;
	[tilespmem:$0x7B80] =	vst v63  }
0x83: {  	_ = 	snop  }
0x84: {  	[spmem:s1] =	stream.indirect.scatter.add.f32 [tilespmem:s19], [sflag:$0x5], $0x1, s18, s14, $0xb8;
	[tilespmem:$0x7B80] =	vst v63  }
0x85: {  	_ = 	snop  }
0x86: {  	[spmem:s1] =	stream.indirect.scatter.add.f32 [tilespmem:s22], [sflag:$0x6], $0x1, s21, s20, $0xb8;
	[tilespmem:$0x7B80] =	vst v63  }
0x87: {  	_ =	swait.ge [sflag:s23], $0x9C0  }
0x88: {  	[sflag:s23] =	ssyncset.done $0x0  }
0x89: {  	[sflag:s23] =	ssyncadd.s32 $0xFFFFF640  }
0x8a: {  	_ =	swait.ge [sflag:s24], $0x9C0  }
0x8b: {  	[sflag:s24] =	ssyncset.done $0x0  }
0x8c: {  	[sflag:s24] =	ssyncadd.s32 $0xFFFFF640  }
0x8d: {  	_ =	swait.ge [sflag:s25], $0x9C0  }
0x8e: {  	[sflag:s25] =	ssyncset.done $0x0  }
0x8f: {  	[sflag:s25] =	ssyncadd.s32 $0xFFFFF640  }
0x90: {  	_ =	swait.ge [sflag:s26], $0x9D0  }
0x91: {  	[sflag:s26] =	ssyncset.done $0x0  }
0x92: {  	[sflag:s26] =	ssyncadd.s32 $0xFFFFF630  }
0x93: {  	[bflag:$0x0] =	sbarrier.arrive $0xFFFF  }
0x94: {  	[tilespmem:s10], [sflag:$0x7] =	stream.linear.gather [spmem:s6], $0x280, $0x38;
	[tilespmem:$0x7B80] =	vst v63  }
0x95: {  	s28 =	sadd.s32 $0x1, s28;
	_ =	swait.ge [sflag:s11], $0x280  }
0x96: {  	p1 =	sne.s32 s28, s7;
	[sflag:s11] =	ssyncset.done $0x0  }
.Ltmp1:
0x97: {  	[sflag:s11] =	ssyncadd.s32 $0xFFFFFD80;
	(pc) =	sbr.rel @p1 .LBB2_1-.Ltmp1, $4  }
0x98: {  	[hbm4b:s8+s3] =	stream.linear.scatter [tilespmem:s10], [sflag:$0x7], $0x280, $0x38;
	[tilespmem:$0x7B80] =	vst v63  }
0x99: {  	_ =	swait.ge [sflag:s11], $0x280  }
0x9a: {  	[sflag:s11] =	ssyncset.done $0x0  }
0x9b: {  	[sflag:s11] =	ssyncadd.s32 $0xFFFFFD80  }
0x9c: {  	_ =	sfence.sel $0x180000  }
0x9d: {  	[bflag:$0x0] =	sbarrier.arrive $0xFFFF  }
0x9e: {  	_ =	strace $0x90000047  }
0x9f: {  	s0 =	stileid.u32;
	[bflag:$0x2] =	sbarrier.arrive $0xFFFF  }
0xa0: {  	p0 =	sne.s32 s0, $0x0;
	s0 =	rddreg [dreg:$0x4]  }
0xa1: {  	s0 =	sadd.s32 @!p0 $0x100000, s0  }
0xa2: {  	[sflag:s0] =	ssyncadd.tile.s32 @!p0 $0x1;
	_ =	shalt  }
.Lfunc_end2:
_tile_overlayer_lowered:
.L_overlay_start_2:
0xa3: {  	(tag) =	ssettag $0x2  }
0xa4: {  	s0 =	rddreg [dreg:$0x0];
	s2 =	stileid.u32  }
0xa5: {  	s1 =	rddreg [dreg:$0x1];
	p0 =	sne.s32 s2, $0x0  }
0xa6: {  	s3 =	rddreg [dreg:$0x2];
	[bflag:$0x3] =	sbarrier.arrive $0xFFFF;
	s2 =	simm.s32 @!p0 $0x1C07  }
0xa7: {  	[timem:s3], [sflag:s2] =	dma.local @!p0 [hbm:s0], s1  }
0xa8: {  	s0 =	simm.s32 @!p0 $0x7  }
0xa9: {  	_ =	swait.ge @!p0 [sflag:s0], s1  }
0xaa: {  	s1 =	ssub.s32 @!p0 $0x0, s1;
	[sflag:s0] =	ssyncset.done @!p0 $0x0  }
0xab: {  	[sflag:s0] =	ssyncadd.s32 @!p0 s1  }
0xac: {  	[bflag:$0x3] =	sbarrier.arrive $0xFFFF  }
0xad: {  	_ =	shalt  }

</sc_bundles>
